<compile_context>
chip_gen: v7x
topology: tpu7x:2x2x1
jax: 0.10.2.dev20260603
libtpu: 0.0.44.dev20260713+nightly
codegen_flags: <defaults>
</compile_context>

<pallas_src>
import functools

import jax
import jax.numpy as jnp
from jax import lax
from jax.experimental import pallas as pl
from jax.experimental.pallas import tpu as pltpu, tpu_sc as plsc

_K = 9
_PAD_K = 16
_NW = 32
_CHUNK = 128


def _lorentz_post(y, s):
    col = lax.broadcasted_iota(jnp.int32, y.shape, 1)
    first = y[:, 0:1]
    t = jax.nn.sigmoid(first) * jnp.exp(s) + 1.1
    yn = jnp.where(col == 0, 0.0, y)
    ss = jnp.sum(yn * yn, axis=1, keepdims=True)
    scale = jnp.sqrt((t * t - 1.0) / jnp.maximum(ss, 1e-8))
    return jnp.where(col == 0, t, y * scale)


def _ll_block(x, W, b, s):
    g = jax.nn.gelu(x)
    y = lax.dot_general(g, W, (((1,), (1,)), ((), ())),
                        preferred_element_type=jnp.float32) + b
    return _lorentz_post(y, s)


def _ffn_kernel(xcn_ref, w1_ref, b1_ref, s1_ref, w2_ref, b2_ref, s2_ref,
                o_ref):
    x = jnp.transpose(xcn_ref[0], (1, 0))
    h = _ll_block(x, w1_ref[...], b1_ref[...], s1_ref[0, 0])
    h = _ll_block(h, w2_ref[...], b2_ref[...], s2_ref[0, 0])
    o_ref[0] = h + x


def _sel_kernel(y1v_ref, f_ref, idx_ref):
    C = y1v_ref.shape[1]
    f = jnp.transpose(y1v_ref[0], (1, 0))
    N = f.shape[0]
    ones_col = jnp.ones((N, 1), jnp.float32)
    zeros_pad = jnp.zeros((N, 128 - C - 1), jnp.float32)
    f_aug = jnp.concatenate([f, ones_col, zeros_pad], axis=1)

    col = lax.broadcasted_iota(jnp.int32, f_aug.shape, 1)
    f_signed = jnp.where(col == 0, -f_aug,
                         jnp.where(col < C, f_aug, 0.0))
    inner = lax.dot_general(f_signed, f_aug, (((1,), (1,)), ((), ())),
                            preferred_element_type=jnp.float32)

    rowid = lax.broadcasted_iota(jnp.int32, inner.shape, 0)
    base = pl.program_id(0) * N
    neg_inf = jnp.float32(-jnp.inf)
    big = jnp.int32(2 ** 30)
    rows = []
    m_prev = None
    for _ in range(_K):
        if m_prev is None:
            m = jnp.max(inner, axis=0, keepdims=True)
        else:
            m = jnp.max(jnp.where(inner < m_prev, inner, neg_inf),
                        axis=0, keepdims=True)
        hit = inner == m
        idxv = jnp.min(jnp.where(hit, rowid, big), axis=0, keepdims=True)
        rows.append(idxv + base)
        m_prev = m
    pad = [rows[0]] * (_PAD_K - _K)
    idx_ref[0] = jnp.concatenate(rows + pad, axis=0)
    f_ref[0] = f_aug


def _sc_gather(table_hbm, idx_hbm, out_hbm, idx_all, rows_a, rows_b,
               sem_a, sem_b):
    wid = lax.axis_index("s") * 2 + lax.axis_index("c")
    rows_per_w = idx_hbm.shape[0] // _NW
    base = wid * rows_per_w
    pltpu.sync_copy(idx_hbm.at[pl.ds(base, rows_per_w)], idx_all)
    nchunk = rows_per_w // _CHUNK
    bufs = (rows_a, rows_b)
    sems = (sem_a, sem_b)

    @pl.loop(0, nchunk, step=2)
    def body(i):
        cps = []
        for b in range(2):
            off = (i + b) * _CHUNK
            cps.append((off, pltpu.async_copy(
                table_hbm.at[idx_all.at[pl.ds(off, _CHUNK)]],
                bufs[b], sems[b])))
        for b in range(2):
            off, cp = cps[b]
            cp.wait()
            pltpu.sync_copy(bufs[b], out_hbm.at[pl.ds(base + off, _CHUNK)])


def _tail_kernel(gath_ref, f_ref, scu_ref,
                 wg1_ref, wg2_ref, bg_ref, sg_ref,
                 w2a_ref, b2a_ref, s2a_ref, w2b_ref, b2b_ref, s2b_ref,
                 o_ref):
    C = wg1_ref.shape[0]
    f = f_ref[0][:, :C]
    nbmax = jnp.max(gath_ref[0], axis=0)[:, :C]
    rel = nbmax - f
    y = (lax.dot_general(jax.nn.gelu(f), wg1_ref[...],
                         (((1,), (1,)), ((), ())),
                         preferred_element_type=jnp.float32)
         + lax.dot_general(jax.nn.gelu(rel), wg2_ref[...],
                           (((1,), (1,)), ((), ())),
                           preferred_element_type=jnp.float32)
         + bg_ref[...])
    out = _lorentz_post(y, sg_ref[0, 0])

    h = _ll_block(out, w2a_ref[...], b2a_ref[...], s2a_ref[0, 0])
    h = _ll_block(h, w2b_ref[...], b2b_ref[...], s2b_ref[0, 0])
    o_ref[0] = h + out + scu_ref[0]


@functools.partial(jax.jit, static_argnames=())
def kernel(x, W1a, b1a, s1a, W1b, b1b, s1b, Wg, bg, sg, W2a, b2a, s2a,
           W2b, b2b, s2b):
    B, C, H, W = x.shape
    N = H * W
    f32 = jnp.float32

    def v(a):
        return jnp.asarray(a, f32).reshape(1, -1)

    def sc(a):
        return jnp.asarray(a, f32).reshape(1, 1)

    xcn = x.reshape(B, C, N)

    wspec = pl.BlockSpec((C, C), lambda b: (0, 0))
    bspec = pl.BlockSpec((1, C), lambda b: (0, 0))
    sspec = pl.BlockSpec((1, 1), lambda b: (0, 0))

    ffn1 = pl.pallas_call(
        _ffn_kernel,
        grid=(B,),
        in_specs=[
            pl.BlockSpec((1, C, N), lambda b: (b, 0, 0)),
            wspec, bspec, sspec, wspec, bspec, sspec,
        ],
        out_specs=pl.BlockSpec((1, N, C), lambda b: (b, 0, 0)),
        out_shape=jax.ShapeDtypeStruct((B, N, C), f32),
    )
    y1 = ffn1(xcn, W1a, v(b1a), sc(s1a), W1b, v(b1b), sc(s1b))

    y1v = y1.reshape(B, C, N)
    scu = x.reshape(B, N, C)

    sel = pl.pallas_call(
        _sel_kernel,
        grid=(B,),
        in_specs=[pl.BlockSpec((1, C, N), lambda b: (b, 0, 0))],
        out_specs=[
            pl.BlockSpec((1, N, 128), lambda b: (b, 0, 0)),
            pl.BlockSpec((1, _PAD_K, N), lambda b: (b, 0, 0)),
        ],
        out_shape=[
            jax.ShapeDtypeStruct((B, N, 128), f32),
            jax.ShapeDtypeStruct((B, _PAD_K, N), jnp.int32),
        ],
    )
    f_all, idxg = sel(y1v)

    table = f_all.reshape(B * N, 128)
    idx_flat = idxg[:, :_K, :].reshape(B * _K * N)

    gather = pl.kernel(
        _sc_gather,
        out_type=jax.ShapeDtypeStruct((B * _K * N, 128), f32),
        mesh=plsc.VectorSubcoreMesh(core_axis_name="c", subcore_axis_name="s"),
        scratch_types=[
            pltpu.VMEM((B * _K * N // _NW,), jnp.int32),
            pltpu.VMEM((_CHUNK, 128), f32),
            pltpu.VMEM((_CHUNK, 128), f32),
            pltpu.SemaphoreType.DMA,
            pltpu.SemaphoreType.DMA,
        ],
    )
    gath = gather(table, idx_flat).reshape(B, _K, N, 128)

    Wg1 = Wg[:, :C]
    Wg2 = Wg[:, C:]

    tail = pl.pallas_call(
        _tail_kernel,
        grid=(B,),
        in_specs=[
            pl.BlockSpec((1, _K, N, 128), lambda b: (b, 0, 0, 0)),
            pl.BlockSpec((1, N, 128), lambda b: (b, 0, 0)),
            pl.BlockSpec((1, N, C), lambda b: (b, 0, 0)),
            wspec, wspec, bspec, sspec,
            wspec, bspec, sspec, wspec, bspec, sspec,
        ],
        out_specs=pl.BlockSpec((1, N, C), lambda b: (b, 0, 0)),
        out_shape=jax.ShapeDtypeStruct((B, N, C), f32),
    )
    z = tail(gath, f_all, scu, Wg1, Wg2, v(bg), sc(sg),
             W2a, v(b2a), sc(s2a), W2b, v(b2b), sc(s2b))

    return z.reshape(B, C, H, W)

# --- scband reference (transcript-rebuilt; emitter-appended) ---
"""Pipeline reference for scband-lorentz-grapher-42580305773091 (READ-ONLY COPY).

The authoritative reference and input builder live on the scoring server;
editing this copy changes nothing except your own understanding.
"""

import jax, jax.numpy as jnp
import numpy as np
import math

_K = 9

def _ll(x, W, b, s):
    # LorentzLinear with nonlin=gelu, dropout=0 (eval)
    x = jax.nn.gelu(x)
    x = x @ W.T + b
    xn = x[..., 1:]
    t = jax.nn.sigmoid(x[..., :1]) * jnp.exp(s) + 1.1
    sc = (t * t - 1.0) / jnp.maximum(jnp.sum(xn * xn, axis=-1, keepdims=True), 1e-8)
    return jnp.concatenate([t, xn * jnp.sqrt(sc)], axis=-1)

def _ffn(x, Wa, ba, sa, Wb, bb, sb):
    # FFN_Lorentz: two LorentzLinears + residual
    return _ll(_ll(x, Wa, ba, sa), Wb, bb, sb) + x

def _graph_conv(x4, Wg, bg, sg):
    # LorentzDyGraphConv2d: dynamic kNN via Lorentz inner product + max-relative conv
    B, C, N, _ = x4.shape
    f = jnp.transpose(x4[..., 0], (0, 2, 1))  # [B, N, C]
    signs = jnp.concatenate([-jnp.ones((1,), x4.dtype), jnp.ones((C - 1,), x4.dtype)])
    inner = jnp.einsum('bnc,bmc->bnm', f, f * signs)  # Lorentz inner product (larger = closer)
    _, idx = jax.lax.top_k(inner, _K)  # [B, N, k] nearest neighbors
    nb = jax.vmap(lambda ff, ii: ff[ii])(f, idx)  # [B, N, k, C] gather
    rel = jnp.max(nb - f[:, :, None, :], axis=2)  # max-relative aggregation
    cat = jnp.concatenate([f, rel], axis=-1)  # [B, N, 2C]
    out = _ll(cat, Wg, bg, sg)  # [B, N, C]
    return jnp.transpose(out, (0, 2, 1))[..., None]

def _forward(x, W1a, b1a, s1a, W1b, b1b, s1b, Wg, bg, sg, W2a, b2a, s2a, W2b, b2b, s2b):
    B, C, H, W = x.shape
    N = H * W
    x4 = x.reshape(B, C, N, 1)
    shortcut = x4
    y = jnp.transpose(x4[..., 0], (0, 2, 1))  # rearrange 'b c h w -> b (h w) c'
    y = _ffn(y, W1a, b1a, s1a, W1b, b1b, s1b)
    x4 = y.reshape(B, C, N, 1)  # raw reshape, faithful to torch .reshape
    x4 = _graph_conv(x4, Wg, bg, sg)
    y = jnp.transpose(x4[..., 0], (0, 2, 1))
    y = _ffn(y, W2a, b2a, s2a, W2b, b2b, s2b)
    x4 = y.reshape(B, C, N, 1)
    return (x4 + shortcut).reshape(B, C, H, W)

def setup_inputs(seed: int = 0):
    key = jax.random.key(seed)
    ks = jax.random.split(key, 6)
    B, C, H, W = 16, 96, 32, 32
    def lin(k, out_f, in_f):
        return (jax.random.normal(k, (out_f, in_f), jnp.float32) * 0.02,
                jnp.zeros((out_f,), jnp.float32))
    s0 = jnp.asarray(math.log(10.0), jnp.float32)
    x = jax.random.normal(ks[0], (B, C, H, W), jnp.float32)
    W1a, b1a = lin(ks[1], C, C)
    W1b, b1b = lin(ks[2], C, C)
    Wg, bg = lin(ks[3], C, 2 * C)
    W2a, b2a = lin(ks[4], C, C)
    W2b, b2b = lin(ks[5], C, C)
    return dict(x=x, W1a=W1a, b1a=b1a, s1a=s0, W1b=W1b, b1b=b1b, s1b=s0,
                Wg=Wg, bg=bg, sg=s0, W2a=W2a, b2a=b2a, s2a=s0,
                W2b=W2b, b2b=b2b, s2b=s0)

def reference(x, W1a, b1a, s1a, W1b, b1b, s1b, Wg, bg, sg, W2a, b2a, s2a, W2b, b2b, s2b):
    return _forward(x, W1a, b1a, s1a, W1b, b1b, s1b, Wg, bg, sg, W2a, b2a, s2a, W2b, b2b, s2b)

if __name__ == "__main__":
    import jax
    _d = setup_inputs()
    print(jax.jit(kernel)(*tuple(_d.values())))

</pallas_src>

<mosaic_0001>
#map = affine_map<(d0, d1) -> (0, 0)>
#map1 = affine_map<(d0, d1) -> (0)>
module attributes {stable_mosaic.version = 14 : i64} {
  func.func @_sc_gather(%arg0: i32, %arg1: i32, %arg2: memref<16384x128xf32, #tpu.memory_space<hbm>>, %arg3: memref<147456xi32, #tpu.memory_space<hbm>>, %arg4: memref<147456x128xf32, #tpu.memory_space<hbm>>, %arg5: memref<4608xi32, #tpu.memory_space<vmem>>, %arg6: memref<128x128xf32, #tpu.memory_space<vmem>>, %arg7: memref<128x128xf32, #tpu.memory_space<vmem>>, %arg8: memref<!tpu.dma_semaphore, #tpu.memory_space<semaphore_mem>>, %arg9: memref<!tpu.dma_semaphore, #tpu.memory_space<semaphore_mem>>) attributes {dimension_semantics = [#tpu.dimension_semantics<core_parallel>, #tpu.dimension_semantics<subcore_parallel>], iteration_bounds = array<i64: 2, 16>, scalar_prefetch = 0 : i64, scratch_operands = 5 : i64, tpu.core_type = #tpu.core_type<sc_vector_subcore>, window_params = [{transform_indices = #map}, {transform_indices = #map1}, {transform_indices = #map}]} {
    %mul3A = arith.constant 2 : i32
    %mul3A_0 = arith.muli %arg1, %mul3A : i32
    %add3A = arith.addi %mul3A_0, %arg0 : i32
    %mul3A_1 = arith.constant 4608 : i32
    %mul3A_2 = arith.muli %add3A, %mul3A_1 : i32
    "tpu.region"() ({
      %run_scoped3A = tpu.sem_alloc : memref<!tpu.dma_semaphore, #tpu.memory_space<semaphore_mem>>
      %dma_start3A = tpu.memref_slice %arg3[%mul3A_2] : memref<147456xi32, #tpu.memory_space<hbm>> -> memref<4608xi32, #tpu.memory_space<hbm>>
      %dma_start3A_7 = tpu.memref_slice %arg3[%mul3A_2] : memref<147456xi32, #tpu.memory_space<hbm>> -> memref<4608xi32, #tpu.memory_space<hbm>>
      tpu.enqueue_dma source(%dma_start3A_7 : memref<4608xi32, #tpu.memory_space<hbm>>) target(%arg5 : memref<4608xi32, #tpu.memory_space<vmem>>) target_semaphore(%run_scoped3A : memref<!tpu.dma_semaphore, #tpu.memory_space<semaphore_mem>>)
      %dma_wait3A = tpu.memref_slice %arg3[%mul3A_2] : memref<147456xi32, #tpu.memory_space<hbm>> -> memref<4608xi32, #tpu.memory_space<hbm>>
      %dma_wait3A_8 = tpu.memref_slice %arg3[%mul3A_2] : memref<147456xi32, #tpu.memory_space<hbm>> -> memref<4608xi32, #tpu.memory_space<hbm>>
      tpu.wait_dma2 semaphore(%run_scoped3A : memref<!tpu.dma_semaphore, #tpu.memory_space<semaphore_mem>>) src(%dma_wait3A_8 : memref<4608xi32, #tpu.memory_space<hbm>>) dst(%arg5 : memref<4608xi32, #tpu.memory_space<vmem>>)
      tpu.yield
    }) : () -> ()
    %scan3A = arith.constant 0 : i32
    %scan3A_3 = arith.constant 18 : i32
    %scan3A_4 = arith.addi %scan3A, %scan3A_3 : i32
    %scan3A_5 = arith.constant 1 : i32
    scf.for %scan3A_7 = %scan3A to %scan3A_4 step %scan3A_5  : i32 {
      %mul3A_8 = arith.constant 2 : i32
      %mul3A_9 = arith.muli %scan3A_7, %mul3A_8 : i32
      %add3A_10 = arith.constant 0 : i32
      %add3A_11 = arith.addi %add3A_10, %mul3A_9 : i32
      %add3A_12 = arith.constant 0 : i32
      %add3A_13 = arith.addi %add3A_11, %add3A_12 : i32
      %mul3A_14 = arith.constant 128 : i32
      %mul3A_15 = arith.muli %add3A_13, %mul3A_14 : i32
      %dma_start3A = tpu.memref_slice %arg5[%mul3A_15] : memref<4608xi32, #tpu.memory_space<vmem>> -> memref<128xi32, #tpu.memory_space<vmem>>
      %dma_start3A_16 = arith.constant 0 : i32
      %dma_start3A_17 = arith.constant 0 : i32
      %dma_start3A_18 = tpu.memref_slice %arg2[%dma_start3A_16, %dma_start3A_17] : memref<16384x128xf32, #tpu.memory_space<hbm>> -> memref<16384x128xf32, #tpu.memory_space<hbm>>
      tpu.enqueue_indirect_dma source(%dma_start3A_18 : memref<16384x128xf32, #tpu.memory_space<hbm>>) target(%arg6 : memref<128x128xf32, #tpu.memory_space<vmem>>) offsets(%dma_start3A : memref<128xi32, #tpu.memory_space<vmem>>) semaphore(%arg8 : memref<!tpu.dma_semaphore, #tpu.memory_space<semaphore_mem>>)
      %add3A_19 = arith.constant 1 : i32
      %add3A_20 = arith.addi %add3A_11, %add3A_19 : i32
      %mul3A_21 = arith.constant 128 : i32
      %mul3A_22 = arith.muli %add3A_20, %mul3A_21 : i32
      %dma_start3A_23 = tpu.memref_slice %arg5[%mul3A_22] : memref<4608xi32, #tpu.memory_space<vmem>> -> memref<128xi32, #tpu.memory_space<vmem>>
      %dma_start3A_24 = arith.constant 0 : i32
      %dma_start3A_25 = arith.constant 0 : i32
      %dma_start3A_26 = tpu.memref_slice %arg2[%dma_start3A_24, %dma_start3A_25] : memref<16384x128xf32, #tpu.memory_space<hbm>> -> memref<16384x128xf32, #tpu.memory_space<hbm>>
      tpu.enqueue_indirect_dma source(%dma_start3A_26 : memref<16384x128xf32, #tpu.memory_space<hbm>>) target(%arg7 : memref<128x128xf32, #tpu.memory_space<vmem>>) offsets(%dma_start3A_23 : memref<128xi32, #tpu.memory_space<vmem>>) semaphore(%arg9 : memref<!tpu.dma_semaphore, #tpu.memory_space<semaphore_mem>>)
      %dma_wait3A = tpu.memref_slice %arg5[%mul3A_15] : memref<4608xi32, #tpu.memory_space<vmem>> -> memref<128xi32, #tpu.memory_space<vmem>>
      %dma_wait3A_27 = arith.constant 0 : i32
      %dma_wait3A_28 = arith.constant 0 : i32
      %dma_wait3A_29 = tpu.memref_slice %arg2[%dma_wait3A_27, %dma_wait3A_28] : memref<16384x128xf32, #tpu.memory_space<hbm>> -> memref<16384x128xf32, #tpu.memory_space<hbm>>
      tpu.wait_indirect_dma semaphore(%arg8 : memref<!tpu.dma_semaphore, #tpu.memory_space<semaphore_mem>>) src(%dma_wait3A_29 : memref<16384x128xf32, #tpu.memory_space<hbm>>) dst(%arg6 : memref<128x128xf32, #tpu.memory_space<vmem>>)
      %add3A_30 = arith.addi %mul3A_2, %mul3A_15 : i32
      "tpu.region"() ({
        %run_scoped3A = tpu.sem_alloc : memref<!tpu.dma_semaphore, #tpu.memory_space<semaphore_mem>>
        %dma_start3A_36 = arith.constant 0 : i32
        %dma_start3A_37 = tpu.memref_slice %arg4[%add3A_30, %dma_start3A_36] : memref<147456x128xf32, #tpu.memory_space<hbm>> -> memref<128x128xf32, #tpu.memory_space<hbm>>
        %dma_start3A_38 = arith.constant 0 : i32
        %dma_start3A_39 = tpu.memref_slice %arg4[%add3A_30, %dma_start3A_38] : memref<147456x128xf32, #tpu.memory_space<hbm>> -> memref<128x128xf32, #tpu.memory_space<hbm>>
        tpu.enqueue_dma source(%arg6 : memref<128x128xf32, #tpu.memory_space<vmem>>) target(%dma_start3A_39 : memref<128x128xf32, #tpu.memory_space<hbm>>) target_semaphore(%run_scoped3A : memref<!tpu.dma_semaphore, #tpu.memory_space<semaphore_mem>>)
        %dma_wait3A_40 = arith.constant 0 : i32
        %dma_wait3A_41 = tpu.memref_slice %arg4[%add3A_30, %dma_wait3A_40] : memref<147456x128xf32, #tpu.memory_space<hbm>> -> memref<128x128xf32, #tpu.memory_space<hbm>>
        %dma_wait3A_42 = arith.constant 0 : i32
        %dma_wait3A_43 = tpu.memref_slice %arg4[%add3A_30, %dma_wait3A_42] : memref<147456x128xf32, #tpu.memory_space<hbm>> -> memref<128x128xf32, #tpu.memory_space<hbm>>
        tpu.wait_dma2 semaphore(%run_scoped3A : memref<!tpu.dma_semaphore, #tpu.memory_space<semaphore_mem>>) src(%arg6 : memref<128x128xf32, #tpu.memory_space<vmem>>) dst(%dma_wait3A_43 : memref<128x128xf32, #tpu.memory_space<hbm>>)
        tpu.yield
      }) : () -> ()
      %dma_wait3A_31 = tpu.memref_slice %arg5[%mul3A_22] : memref<4608xi32, #tpu.memory_space<vmem>> -> memref<128xi32, #tpu.memory_space<vmem>>
      %dma_wait3A_32 = arith.constant 0 : i32
      %dma_wait3A_33 = arith.constant 0 : i32
      %dma_wait3A_34 = tpu.memref_slice %arg2[%dma_wait3A_32, %dma_wait3A_33] : memref<16384x128xf32, #tpu.memory_space<hbm>> -> memref<16384x128xf32, #tpu.memory_space<hbm>>
      tpu.wait_indirect_dma semaphore(%arg9 : memref<!tpu.dma_semaphore, #tpu.memory_space<semaphore_mem>>) src(%dma_wait3A_34 : memref<16384x128xf32, #tpu.memory_space<hbm>>) dst(%arg7 : memref<128x128xf32, #tpu.memory_space<vmem>>)
      %add3A_35 = arith.addi %mul3A_2, %mul3A_22 : i32
      "tpu.region"() ({
        %run_scoped3A = tpu.sem_alloc : memref<!tpu.dma_semaphore, #tpu.memory_space<semaphore_mem>>
        %dma_start3A_36 = arith.constant 0 : i32
        %dma_start3A_37 = tpu.memref_slice %arg4[%add3A_35, %dma_start3A_36] : memref<147456x128xf32, #tpu.memory_space<hbm>> -> memref<128x128xf32, #tpu.memory_space<hbm>>
        %dma_start3A_38 = arith.constant 0 : i32
        %dma_start3A_39 = tpu.memref_slice %arg4[%add3A_35, %dma_start3A_38] : memref<147456x128xf32, #tpu.memory_space<hbm>> -> memref<128x128xf32, #tpu.memory_space<hbm>>
        tpu.enqueue_dma source(%arg7 : memref<128x128xf32, #tpu.memory_space<vmem>>) target(%dma_start3A_39 : memref<128x128xf32, #tpu.memory_space<hbm>>) target_semaphore(%run_scoped3A : memref<!tpu.dma_semaphore, #tpu.memory_space<semaphore_mem>>)
        %dma_wait3A_40 = arith.constant 0 : i32
        %dma_wait3A_41 = tpu.memref_slice %arg4[%add3A_35, %dma_wait3A_40] : memref<147456x128xf32, #tpu.memory_space<hbm>> -> memref<128x128xf32, #tpu.memory_space<hbm>>
        %dma_wait3A_42 = arith.constant 0 : i32
        %dma_wait3A_43 = tpu.memref_slice %arg4[%add3A_35, %dma_wait3A_42] : memref<147456x128xf32, #tpu.memory_space<hbm>> -> memref<128x128xf32, #tpu.memory_space<hbm>>
        tpu.wait_dma2 semaphore(%run_scoped3A : memref<!tpu.dma_semaphore, #tpu.memory_space<semaphore_mem>>) src(%arg7 : memref<128x128xf32, #tpu.memory_space<vmem>>) dst(%dma_wait3A_43 : memref<128x128xf32, #tpu.memory_space<hbm>>)
        tpu.yield
      }) : () -> ()
    }
    %scan3A_6 = arith.constant 18 : i32
    return
  }
}

module attributes {stable_mosaic.version = 14 : i64} {
  func.func @_ffn_kernel(%arg0: i32, %arg1: memref<1x96x1024xf32, #tpu.memory_space<vmem>>, %arg2: memref<96x96xf32, #tpu.memory_space<vmem>>, %arg3: memref<1x96xf32, #tpu.memory_space<vmem>>, %arg4: memref<1x1xf32, #tpu.memory_space<vmem>>, %arg5: memref<96x96xf32, #tpu.memory_space<vmem>>, %arg6: memref<1x96xf32, #tpu.memory_space<vmem>>, %arg7: memref<1x1xf32, #tpu.memory_space<vmem>>, %arg8: memref<1x1024x96xf32, #tpu.memory_space<vmem>>) attributes {dimension_semantics = [#tpu.dimension_semantics<arbitrary>], iteration_bounds = array<i64: 16>, scalar_prefetch = 0 : i64, scratch_operands = 0 : i64, tpu.core_type = #tpu.core_type<tc>, window_params = [{transform_indices = @transform_0, window_bounds = array<i64: 1, 96, 1024>}, {pipeline_mode = #tpu.pipeline_mode<synchronous>, transform_indices = @transform_1, window_bounds = array<i64: 96, 96>}, {pipeline_mode = #tpu.pipeline_mode<synchronous>, transform_indices = @transform_2, window_bounds = array<i64: 1, 96>}, {pipeline_mode = #tpu.pipeline_mode<synchronous>, transform_indices = @transform_3, window_bounds = array<i64: 1, 1>}, {pipeline_mode = #tpu.pipeline_mode<synchronous>, transform_indices = @transform_4, window_bounds = array<i64: 96, 96>}, {pipeline_mode = #tpu.pipeline_mode<synchronous>, transform_indices = @transform_5, window_bounds = array<i64: 1, 96>}, {pipeline_mode = #tpu.pipeline_mode<synchronous>, transform_indices = @transform_6, window_bounds = array<i64: 1, 1>}, {transform_indices = @transform_7, window_bounds = array<i64: 1, 1024, 96>}]} {
    %get3A = arith.constant 0 : index
    %get3A_0 = arith.constant 0 : index
    %get3A_1 = arith.constant 0 : index
    %get3A_2 = vector.load %arg1[%get3A, %get3A_0, %get3A_1] : memref<1x96x1024xf32, #tpu.memory_space<vmem>>, vector<1x96x1024xf32>
    %get3A_3 = vector.shape_cast %get3A_2 : vector<1x96x1024xf32> to vector<96x1024xf32>
    %transpose3A = tpu.transpose %get3A_3, [1, 0] : vector<96x1024xf32> -> vector<1024x96xf32>
    %get3A_4 = arith.constant 0 : index
    %get3A_5 = arith.constant 0 : index
    %get3A_6 = vector.load %arg2[%get3A_4, %get3A_5] : memref<96x96xf32, #tpu.memory_space<vmem>>, vector<96x96xf32>
    %get3A_7 = arith.constant 0 : index
    %get3A_8 = arith.constant 0 : index
    %get3A_9 = vector.load %arg3[%get3A_7, %get3A_8] : memref<1x96xf32, #tpu.memory_space<vmem>>, vector<1x96xf32>
    %get3A_10 = arith.constant 0 : index
    %get3A_11 = arith.constant 0 : index
    %get3A_12 = vector.load %arg4[%get3A_10, %get3A_11] : memref<1x1xf32, #tpu.memory_space<vmem>>, vector<1x1xf32>
    %get3A_13 = vector.extract %get3A_12[0, 0] : f32 from vector<1x1xf32>
    %integer_pow3A = arith.mulf %transpose3A, %transpose3A : vector<1024x96xf32>
    %integer_pow3A_14 = arith.mulf %transpose3A, %integer_pow3A : vector<1024x96xf32>
    %mul3A = arith.constant 4.471500e-02 : f32
    %mul3A_15 = vector.broadcast %mul3A : f32 to vector<1024x96xf32>
    %mul3A_16 = arith.mulf %mul3A_15, %integer_pow3A_14 : vector<1024x96xf32>
    %add3A = arith.addf %transpose3A, %mul3A_16 : vector<1024x96xf32>
    %mul3A_17 = arith.constant 0.797884583 : f32
    %mul3A_18 = vector.broadcast %mul3A_17 : f32 to vector<1024x96xf32>
    %mul3A_19 = arith.mulf %mul3A_18, %add3A : vector<1024x96xf32>
    %tanh3A = math.tanh %mul3A_19 : vector<1024x96xf32>
    %add3A_20 = arith.constant 1.000000e+00 : f32
    %add3A_21 = vector.broadcast %add3A_20 : f32 to vector<1024x96xf32>
    %add3A_22 = arith.addf %add3A_21, %tanh3A : vector<1024x96xf32>
    %mul3A_23 = arith.constant 5.000000e-01 : f32
    %mul3A_24 = vector.broadcast %mul3A_23 : f32 to vector<1024x96xf32>
    %mul3A_25 = arith.mulf %mul3A_24, %add3A_22 : vector<1024x96xf32>
    %mul3A_26 = arith.mulf %transpose3A, %mul3A_25 : vector<1024x96xf32>
    %dot_general3A = arith.constant dense<0.000000e+00> : vector<1024x96xf32>
    %dot_general3A_27 = tpu.matmul %mul3A_26, %get3A_6, %dot_general3A {dimension_numbers = #tpu.dot_dimension_numbers<[1], [1], [0], [0], [0, 0, 1, 0], [], []>, transpose_lhs_hint = false} : vector<1024x96xf32>, vector<96x96xf32>, vector<1024x96xf32> -> vector<1024x96xf32>
    %add3A_28 = vector.broadcast %get3A_9 : vector<1x96xf32> to vector<1024x96xf32>
    %add3A_29 = arith.addf %dot_general3A_27, %add3A_28 : vector<1024x96xf32>
    %iota3A = tpu.iota {dimensions = array<i32: 1>} : vector<1024x96xi32>
    %slice3A = vector.extract_strided_slice %add3A_29 {offsets = [0, 0], sizes = [1024, 1], strides = [1, 1]} : vector<1024x96xf32> to vector<1024x1xf32>
    %logistic3A = arith.negf %slice3A : vector<1024x1xf32>
    %logistic3A_30 = math.exp %logistic3A : vector<1024x1xf32>
    %logistic3A_31 = arith.constant 1.000000e+00 : f32
    %logistic3A_32 = vector.broadcast %logistic3A_31 : f32 to vector<1024x1xf32>
    %logistic3A_33 = arith.addf %logistic3A_32, %logistic3A_30 : vector<1024x1xf32>
    %logistic3A_34 = arith.divf %logistic3A_32, %logistic3A_33 : vector<1024x1xf32>
    %exp3A = math.exp %get3A_13 : f32
    %mul3A_35 = vector.broadcast %exp3A : f32 to vector<1024x1xf32>
    %mul3A_36 = arith.mulf %logistic3A_34, %mul3A_35 : vector<1024x1xf32>
    %add3A_37 = arith.constant 1.100000e+00 : f32
    %add3A_38 = vector.broadcast %add3A_37 : f32 to vector<1024x1xf32>
    %add3A_39 = arith.addf %mul3A_36, %add3A_38 : vector<1024x1xf32>
    %eq3A = arith.constant 0 : i32
    %eq3A_40 = vector.broadcast %eq3A : i32 to vector<1024x96xi32>
    %eq3A_41 = arith.cmpi eq, %iota3A, %eq3A_40 : vector<1024x96xi32>
    %jit3A = arith.constant 0.000000e+00 : f32
    %broadcast_in_dim3A = vector.broadcast %jit3A : f32 to vector<1024x96xf32>
    %select_n3A = arith.select %eq3A_41, %broadcast_in_dim3A, %add3A_29 : vector<1024x96xi1>, vector<1024x96xf32>
    %mul3A_42 = arith.mulf %select_n3A, %select_n3A : vector<1024x96xf32>
    %reduce_sum3A = arith.constant dense<0.000000e+00> : vector<1024xf32>
    %reduce_sum3A_43 = vector.multi_reduction <add>, %mul3A_42, %reduce_sum3A [1] : vector<1024x96xf32> to vector<1024xf32>
    %broadcast_in_dim3A_44 = vector.shape_cast %reduce_sum3A_43 : vector<1024xf32> to vector<1024x1xf32>
    %mul3A_45 = arith.mulf %add3A_39, %add3A_39 : vector<1024x1xf32>
    %sub3A = arith.constant 1.000000e+00 : f32
    %sub3A_46 = vector.broadcast %sub3A : f32 to vector<1024x1xf32>
    %sub3A_47 = arith.subf %mul3A_45, %sub3A_46 : vector<1024x1xf32>
    %max3A = arith.constant 9.99999993E-9 : f32
    %max3A_48 = vector.broadcast %max3A : f32 to vector<1024x1xf32>
    %max3A_49 = arith.maximumf %broadcast_in_dim3A_44, %max3A_48 : vector<1024x1xf32>
    %div3A = arith.divf %sub3A_47, %max3A_49 : vector<1024x1xf32>
    %sqrt3A = math.sqrt %div3A : vector<1024x1xf32>
    %eq3A_50 = arith.constant 0 : i32
    %eq3A_51 = vector.broadcast %eq3A_50 : i32 to vector<1024x96xi32>
    %eq3A_52 = arith.cmpi eq, %iota3A, %eq3A_51 : vector<1024x96xi32>
    %mul3A_53 = vector.broadcast %sqrt3A : vector<1024x1xf32> to vector<1024x96xf32>
    %mul3A_54 = arith.mulf %add3A_29, %mul3A_53 : vector<1024x96xf32>
    %broadcast_in_dim3A_55 = vector.shape_cast %add3A_39 : vector<1024x1xf32> to vector<1024x1xf32>
    %broadcast_in_dim3A_56 = vector.broadcast %broadcast_in_dim3A_55 : vector<1024x1xf32> to vector<1024x96xf32>
    %select_n3A_57 = arith.select %eq3A_52, %broadcast_in_dim3A_56, %mul3A_54 : vector<1024x96xi1>, vector<1024x96xf32>
    %get3A_58 = arith.constant 0 : index
    %get3A_59 = arith.constant 0 : index
    %get3A_60 = vector.load %arg5[%get3A_58, %get3A_59] : memref<96x96xf32, #tpu.memory_space<vmem>>, vector<96x96xf32>
    %get3A_61 = arith.constant 0 : index
    %get3A_62 = arith.constant 0 : index
    %get3A_63 = vector.load %arg6[%get3A_61, %get3A_62] : memref<1x96xf32, #tpu.memory_space<vmem>>, vector<1x96xf32>
    %get3A_64 = arith.constant 0 : index
    %get3A_65 = arith.constant 0 : index
    %get3A_66 = vector.load %arg7[%get3A_64, %get3A_65] : memref<1x1xf32, #tpu.memory_space<vmem>>, vector<1x1xf32>
    %get3A_67 = vector.extract %get3A_66[0, 0] : f32 from vector<1x1xf32>
    %integer_pow3A_68 = arith.mulf %select_n3A_57, %select_n3A_57 : vector<1024x96xf32>
    %integer_pow3A_69 = arith.mulf %select_n3A_57, %integer_pow3A_68 : vector<1024x96xf32>
    %mul3A_70 = arith.constant 4.471500e-02 : f32
    %mul3A_71 = vector.broadcast %mul3A_70 : f32 to vector<1024x96xf32>
    %mul3A_72 = arith.mulf %mul3A_71, %integer_pow3A_69 : vector<1024x96xf32>
    %add3A_73 = arith.addf %select_n3A_57, %mul3A_72 : vector<1024x96xf32>
    %mul3A_74 = arith.constant 0.797884583 : f32
    %mul3A_75 = vector.broadcast %mul3A_74 : f32 to vector<1024x96xf32>
    %mul3A_76 = arith.mulf %mul3A_75, %add3A_73 : vector<1024x96xf32>
    %tanh3A_77 = math.tanh %mul3A_76 : vector<1024x96xf32>
    %add3A_78 = arith.constant 1.000000e+00 : f32
    %add3A_79 = vector.broadcast %add3A_78 : f32 to vector<1024x96xf32>
    %add3A_80 = arith.addf %add3A_79, %tanh3A_77 : vector<1024x96xf32>
    %mul3A_81 = arith.constant 5.000000e-01 : f32
    %mul3A_82 = vector.broadcast %mul3A_81 : f32 to vector<1024x96xf32>
    %mul3A_83 = arith.mulf %mul3A_82, %add3A_80 : vector<1024x96xf32>
    %mul3A_84 = arith.mulf %select_n3A_57, %mul3A_83 : vector<1024x96xf32>
    %dot_general3A_85 = arith.constant dense<0.000000e+00> : vector<1024x96xf32>
    %dot_general3A_86 = tpu.matmul %mul3A_84, %get3A_60, %dot_general3A_85 {dimension_numbers = #tpu.dot_dimension_numbers<[1], [1], [0], [0], [0, 0, 1, 0], [], []>, transpose_lhs_hint = false} : vector<1024x96xf32>, vector<96x96xf32>, vector<1024x96xf32> -> vector<1024x96xf32>
    %add3A_87 = vector.broadcast %get3A_63 : vector<1x96xf32> to vector<1024x96xf32>
    %add3A_88 = arith.addf %dot_general3A_86, %add3A_87 : vector<1024x96xf32>
    %iota3A_89 = tpu.iota {dimensions = array<i32: 1>} : vector<1024x96xi32>
    %slice3A_90 = vector.extract_strided_slice %add3A_88 {offsets = [0, 0], sizes = [1024, 1], strides = [1, 1]} : vector<1024x96xf32> to vector<1024x1xf32>
    %logistic3A_91 = arith.negf %slice3A_90 : vector<1024x1xf32>
    %logistic3A_92 = math.exp %logistic3A_91 : vector<1024x1xf32>
    %logistic3A_93 = arith.constant 1.000000e+00 : f32
    %logistic3A_94 = vector.broadcast %logistic3A_93 : f32 to vector<1024x1xf32>
    %logistic3A_95 = arith.addf %logistic3A_94, %logistic3A_92 : vector<1024x1xf32>
    %logistic3A_96 = arith.divf %logistic3A_94, %logistic3A_95 : vector<1024x1xf32>
    %exp3A_97 = math.exp %get3A_67 : f32
    %mul3A_98 = vector.broadcast %exp3A_97 : f32 to vector<1024x1xf32>
    %mul3A_99 = arith.mulf %logistic3A_96, %mul3A_98 : vector<1024x1xf32>
    %add3A_100 = arith.constant 1.100000e+00 : f32
    %add3A_101 = vector.broadcast %add3A_100 : f32 to vector<1024x1xf32>
    %add3A_102 = arith.addf %mul3A_99, %add3A_101 : vector<1024x1xf32>
    %eq3A_103 = arith.constant 0 : i32
    %eq3A_104 = vector.broadcast %eq3A_103 : i32 to vector<1024x96xi32>
    %eq3A_105 = arith.cmpi eq, %iota3A_89, %eq3A_104 : vector<1024x96xi32>
    %jit3A_106 = arith.constant 0.000000e+00 : f32
    %broadcast_in_dim3A_107 = vector.broadcast %jit3A_106 : f32 to vector<1024x96xf32>
    %select_n3A_108 = arith.select %eq3A_105, %broadcast_in_dim3A_107, %add3A_88 : vector<1024x96xi1>, vector<1024x96xf32>
    %mul3A_109 = arith.mulf %select_n3A_108, %select_n3A_108 : vector<1024x96xf32>
    %reduce_sum3A_110 = arith.constant dense<0.000000e+00> : vector<1024xf32>
    %reduce_sum3A_111 = vector.multi_reduction <add>, %mul3A_109, %reduce_sum3A_110 [1] : vector<1024x96xf32> to vector<1024xf32>
    %broadcast_in_dim3A_112 = vector.shape_cast %reduce_sum3A_111 : vector<1024xf32> to vector<1024x1xf32>
    %mul3A_113 = arith.mulf %add3A_102, %add3A_102 : vector<1024x1xf32>
    %sub3A_114 = arith.constant 1.000000e+00 : f32
    %sub3A_115 = vector.broadcast %sub3A_114 : f32 to vector<1024x1xf32>
    %sub3A_116 = arith.subf %mul3A_113, %sub3A_115 : vector<1024x1xf32>
    %max3A_117 = arith.constant 9.99999993E-9 : f32
    %max3A_118 = vector.broadcast %max3A_117 : f32 to vector<1024x1xf32>
    %max3A_119 = arith.maximumf %broadcast_in_dim3A_112, %max3A_118 : vector<1024x1xf32>
    %div3A_120 = arith.divf %sub3A_116, %max3A_119 : vector<1024x1xf32>
    %sqrt3A_121 = math.sqrt %div3A_120 : vector<1024x1xf32>
    %eq3A_122 = arith.constant 0 : i32
    %eq3A_123 = vector.broadcast %eq3A_122 : i32 to vector<1024x96xi32>
    %eq3A_124 = arith.cmpi eq, %iota3A_89, %eq3A_123 : vector<1024x96xi32>
    %mul3A_125 = vector.broadcast %sqrt3A_121 : vector<1024x1xf32> to vector<1024x96xf32>
    %mul3A_126 = arith.mulf %add3A_88, %mul3A_125 : vector<1024x96xf32>
    %broadcast_in_dim3A_127 = vector.shape_cast %add3A_102 : vector<1024x1xf32> to vector<1024x1xf32>
    %broadcast_in_dim3A_128 = vector.broadcast %broadcast_in_dim3A_127 : vector<1024x1xf32> to vector<1024x96xf32>
    %select_n3A_129 = arith.select %eq3A_124, %broadcast_in_dim3A_128, %mul3A_126 : vector<1024x96xi1>, vector<1024x96xf32>
    %add3A_130 = arith.addf %select_n3A_129, %transpose3A : vector<1024x96xf32>
    %swap3A = arith.constant 0 : index
    %swap3A_131 = arith.constant 0 : index
    %swap3A_132 = arith.constant 0 : index
    %swap3A_133 = vector.load %arg8[%swap3A, %swap3A_131, %swap3A_132] : memref<1x1024x96xf32, #tpu.memory_space<vmem>>, vector<1x1024x96xf32>
    %swap3A_134 = vector.shape_cast %swap3A_133 : vector<1x1024x96xf32> to vector<1024x96xf32>
    %swap3A_135 = vector.shape_cast %add3A_130 : vector<1024x96xf32> to vector<1x1024x96xf32>
    tpu.vector_store %arg8[%swap3A, %swap3A_131, %swap3A_132], %swap3A_135 {strides = array<i32>} : memref<1x1024x96xf32, #tpu.memory_space<vmem>>, vector<1x1024x96xf32>,
    return
  }
  func.func @transform_0(%arg0: i32) -> (i32, i32, i32) {
    %c0_i32 = arith.constant 0 : i32
    %c0_i32_0 = arith.constant 0 : i32
    %c0_i32_1 = arith.constant 0 : i32
    return %arg0, %c0_i32, %c0_i32_0 : i32, i32, i32
  }
  func.func @transform_1(%arg0: i32) -> (i32, i32) {
    %c0_i32 = arith.constant 0 : i32
    %c0_i32_0 = arith.constant 0 : i32
    %c0_i32_1 = arith.constant 0 : i32
    return %c0_i32, %c0_i32_0 : i32, i32
  }
  func.func @transform_2(%arg0: i32) -> (i32, i32) {
    %c0_i32 = arith.constant 0 : i32
    %c0_i32_0 = arith.constant 0 : i32
    %c0_i32_1 = arith.constant 0 : i32
    return %c0_i32, %c0_i32_0 : i32, i32
  }
  func.func @transform_3(%arg0: i32) -> (i32, i32) {
    %c0_i32 = arith.constant 0 : i32
    %c0_i32_0 = arith.constant 0 : i32
    %c0_i32_1 = arith.constant 0 : i32
    return %c0_i32, %c0_i32_0 : i32, i32
  }
  func.func @transform_4(%arg0: i32) -> (i32, i32) {
    %c0_i32 = arith.constant 0 : i32
    %c0_i32_0 = arith.constant 0 : i32
    %c0_i32_1 = arith.constant 0 : i32
    return %c0_i32, %c0_i32_0 : i32, i32
  }
  func.func @transform_5(%arg0: i32) -> (i32, i32) {
    %c0_i32 = arith.constant 0 : i32
    %c0_i32_0 = arith.constant 0 : i32
    %c0_i32_1 = arith.constant 0 : i32
    return %c0_i32, %c0_i32_0 : i32, i32
  }
  func.func @transform_6(%arg0: i32) -> (i32, i32) {
    %c0_i32 = arith.constant 0 : i32
    %c0_i32_0 = arith.constant 0 : i32
    %c0_i32_1 = arith.constant 0 : i32
    return %c0_i32, %c0_i32_0 : i32, i32
  }
  func.func @transform_7(%arg0: i32) -> (i32, i32, i32) {
    %c0_i32 = arith.constant 0 : i32
    %c0_i32_0 = arith.constant 0 : i32
    %c0_i32_1 = arith.constant 0 : i32
    return %arg0, %c0_i32, %c0_i32_0 : i32, i32, i32
  }
}

module attributes {stable_mosaic.version = 14 : i64} {
  func.func @_sel_kernel(%arg0: i32, %arg1: memref<1x96x1024xf32, #tpu.memory_space<vmem>>, %arg2: memref<1x1024x128xf32, #tpu.memory_space<vmem>>, %arg3: memref<1x16x1024xi32, #tpu.memory_space<vmem>>) attributes {dimension_semantics = [#tpu.dimension_semantics<arbitrary>], iteration_bounds = array<i64: 16>, scalar_prefetch = 0 : i64, scratch_operands = 0 : i64, tpu.core_type = #tpu.core_type<tc>, window_params = [{transform_indices = @transform_0, window_bounds = array<i64: 1, 96, 1024>}, {transform_indices = @transform_1, window_bounds = array<i64: 1, 1024, 128>}, {transform_indices = @transform_2, window_bounds = array<i64: 1, 16, 1024>}]} {
    %get3A = arith.constant 0 : index
    %get3A_0 = arith.constant 0 : index
    %get3A_1 = arith.constant 0 : index
    %get3A_2 = vector.load %arg1[%get3A, %get3A_0, %get3A_1] : memref<1x96x1024xf32, #tpu.memory_space<vmem>>, vector<1x96x1024xf32>
    %get3A_3 = vector.shape_cast %get3A_2 : vector<1x96x1024xf32> to vector<96x1024xf32>
    %transpose3A = tpu.transpose %get3A_3, [1, 0] : vector<96x1024xf32> -> vector<1024x96xf32>
    %broadcast_in_dim3A = arith.constant 1.000000e+00 : f32
    %broadcast_in_dim3A_4 = vector.broadcast %broadcast_in_dim3A : f32 to vector<1024x1xf32>
    %broadcast_in_dim3A_5 = arith.constant 0.000000e+00 : f32
    %broadcast_in_dim3A_6 = vector.broadcast %broadcast_in_dim3A_5 : f32 to vector<1024x31xf32>
    %concatenate3A = tpu.concatenate %transpose3A, %broadcast_in_dim3A_4, %broadcast_in_dim3A_6 in 1 : vector<1024x96xf32>, vector<1024x1xf32>, vector<1024x31xf32> -> vector<1024x128xf32>
    %iota3A = tpu.iota {dimensions = array<i32: 1>} : vector<1024x128xi32>
    %eq3A = arith.constant 0 : i32
    %eq3A_7 = vector.broadcast %eq3A : i32 to vector<1024x128xi32>
    %eq3A_8 = arith.cmpi eq, %iota3A, %eq3A_7 : vector<1024x128xi32>
    %neg3A = arith.constant 0.000000e+00 : f32
    %neg3A_9 = vector.broadcast %neg3A : f32 to vector<1024x128xf32>
    %neg3A_10 = arith.subf %neg3A_9, %concatenate3A : vector<1024x128xf32>
    %lt3A = arith.constant 96 : i32
    %lt3A_11 = vector.broadcast %lt3A : i32 to vector<1024x128xi32>
    %lt3A_12 = arith.cmpi slt, %iota3A, %lt3A_11 : vector<1024x128xi32>
    %jit3A = arith.constant 0.000000e+00 : f32
    %broadcast_in_dim3A_13 = vector.broadcast %jit3A : f32 to vector<1024x128xf32>
    %select_n3A = arith.select %lt3A_12, %concatenate3A, %broadcast_in_dim3A_13 : vector<1024x128xi1>, vector<1024x128xf32>
    %select_n3A_14 = arith.select %eq3A_8, %neg3A_10, %select_n3A : vector<1024x128xi1>, vector<1024x128xf32>
    %dot_general3A = arith.constant dense<0.000000e+00> : vector<1024x1024xf32>
    %dot_general3A_15 = tpu.matmul %select_n3A_14, %concatenate3A, %dot_general3A {dimension_numbers = #tpu.dot_dimension_numbers<[1], [1], [0], [0], [0, 0, 1, 0], [], []>, transpose_lhs_hint = false} : vector<1024x128xf32>, vector<1024x128xf32>, vector<1024x1024xf32> -> vector<1024x1024xf32>
    %iota3A_16 = tpu.iota {dimensions = array<i32: 0>} : vector<1024x1024xi32>
    %mul3A = arith.constant 1024 : i32
    %mul3A_17 = arith.muli %arg0, %mul3A : i32
    %reduce_max3A = arith.constant dense<0xFF800000> : vector<1024xf32>
    %reduce_max3A_18 = vector.multi_reduction <maximumf>, %dot_general3A_15, %reduce_max3A [0] : vector<1024x1024xf32> to vector<1024xf32>
    %broadcast_in_dim3A_19 = vector.shape_cast %reduce_max3A_18 : vector<1024xf32> to vector<1x1024xf32>
    %eq3A_20 = vector.broadcast %broadcast_in_dim3A_19 : vector<1x1024xf32> to vector<1024x1024xf32>
    %eq3A_21 = arith.cmpf oeq, %dot_general3A_15, %eq3A_20 : vector<1024x1024xf32>
    %jit3A_22 = arith.constant 1073741824 : i32
    %broadcast_in_dim3A_23 = vector.broadcast %jit3A_22 : i32 to vector<1024x1024xi32>
    %select_n3A_24 = arith.select %eq3A_21, %iota3A_16, %broadcast_in_dim3A_23 : vector<1024x1024xi1>, vector<1024x1024xi32>
    %reduce_min3A = arith.constant dense<2147483647> : vector<1024xi32>
    %reduce_min3A_25 = vector.multi_reduction <minsi>, %select_n3A_24, %reduce_min3A [0] : vector<1024x1024xi32> to vector<1024xi32>
    %broadcast_in_dim3A_26 = vector.shape_cast %reduce_min3A_25 : vector<1024xi32> to vector<1x1024xi32>
    %add3A = vector.broadcast %mul3A_17 : i32 to vector<1x1024xi32>
    %add3A_27 = arith.addi %broadcast_in_dim3A_26, %add3A : vector<1x1024xi32>
    %lt3A_28 = vector.broadcast %broadcast_in_dim3A_19 : vector<1x1024xf32> to vector<1024x1024xf32>
    %lt3A_29 = arith.cmpf olt, %dot_general3A_15, %lt3A_28 : vector<1024x1024xf32>
    %jit3A_30 = arith.constant 0xFF800000 : f32
    %broadcast_in_dim3A_31 = vector.broadcast %jit3A_30 : f32 to vector<1024x1024xf32>
    %select_n3A_32 = arith.select %lt3A_29, %dot_general3A_15, %broadcast_in_dim3A_31 : vector<1024x1024xi1>, vector<1024x1024xf32>
    %reduce_max3A_33 = arith.constant dense<0xFF800000> : vector<1024xf32>
    %reduce_max3A_34 = vector.multi_reduction <maximumf>, %select_n3A_32, %reduce_max3A_33 [0] : vector<1024x1024xf32> to vector<1024xf32>
    %broadcast_in_dim3A_35 = vector.shape_cast %reduce_max3A_34 : vector<1024xf32> to vector<1x1024xf32>
    %eq3A_36 = vector.broadcast %broadcast_in_dim3A_35 : vector<1x1024xf32> to vector<1024x1024xf32>
    %eq3A_37 = arith.cmpf oeq, %dot_general3A_15, %eq3A_36 : vector<1024x1024xf32>
    %jit3A_38 = arith.constant 1073741824 : i32
    %broadcast_in_dim3A_39 = vector.broadcast %jit3A_38 : i32 to vector<1024x1024xi32>
    %select_n3A_40 = arith.select %eq3A_37, %iota3A_16, %broadcast_in_dim3A_39 : vector<1024x1024xi1>, vector<1024x1024xi32>
    %reduce_min3A_41 = arith.constant dense<2147483647> : vector<1024xi32>
    %reduce_min3A_42 = vector.multi_reduction <minsi>, %select_n3A_40, %reduce_min3A_41 [0] : vector<1024x1024xi32> to vector<1024xi32>
    %broadcast_in_dim3A_43 = vector.shape_cast %reduce_min3A_42 : vector<1024xi32> to vector<1x1024xi32>
    %add3A_44 = vector.broadcast %mul3A_17 : i32 to vector<1x1024xi32>
    %add3A_45 = arith.addi %broadcast_in_dim3A_43, %add3A_44 : vector<1x1024xi32>
    %lt3A_46 = vector.broadcast %broadcast_in_dim3A_35 : vector<1x1024xf32> to vector<1024x1024xf32>
    %lt3A_47 = arith.cmpf olt, %dot_general3A_15, %lt3A_46 : vector<1024x1024xf32>
    %jit3A_48 = arith.constant 0xFF800000 : f32
    %broadcast_in_dim3A_49 = vector.broadcast %jit3A_48 : f32 to vector<1024x1024xf32>
    %select_n3A_50 = arith.select %lt3A_47, %dot_general3A_15, %broadcast_in_dim3A_49 : vector<1024x1024xi1>, vector<1024x1024xf32>
    %reduce_max3A_51 = arith.constant dense<0xFF800000> : vector<1024xf32>
    %reduce_max3A_52 = vector.multi_reduction <maximumf>, %select_n3A_50, %reduce_max3A_51 [0] : vector<1024x1024xf32> to vector<1024xf32>
    %broadcast_in_dim3A_53 = vector.shape_cast %reduce_max3A_52 : vector<1024xf32> to vector<1x1024xf32>
    %eq3A_54 = vector.broadcast %broadcast_in_dim3A_53 : vector<1x1024xf32> to vector<1024x1024xf32>
    %eq3A_55 = arith.cmpf oeq, %dot_general3A_15, %eq3A_54 : vector<1024x1024xf32>
    %jit3A_56 = arith.constant 1073741824 : i32
    %broadcast_in_dim3A_57 = vector.broadcast %jit3A_56 : i32 to vector<1024x1024xi32>
    %select_n3A_58 = arith.select %eq3A_55, %iota3A_16, %broadcast_in_dim3A_57 : vector<1024x1024xi1>, vector<1024x1024xi32>
    %reduce_min3A_59 = arith.constant dense<2147483647> : vector<1024xi32>
    %reduce_min3A_60 = vector.multi_reduction <minsi>, %select_n3A_58, %reduce_min3A_59 [0] : vector<1024x1024xi32> to vector<1024xi32>
    %broadcast_in_dim3A_61 = vector.shape_cast %reduce_min3A_60 : vector<1024xi32> to vector<1x1024xi32>
    %add3A_62 = vector.broadcast %mul3A_17 : i32 to vector<1x1024xi32>
    %add3A_63 = arith.addi %broadcast_in_dim3A_61, %add3A_62 : vector<1x1024xi32>
    %lt3A_64 = vector.broadcast %broadcast_in_dim3A_53 : vector<1x1024xf32> to vector<1024x1024xf32>
    %lt3A_65 = arith.cmpf olt, %dot_general3A_15, %lt3A_64 : vector<1024x1024xf32>
    %jit3A_66 = arith.constant 0xFF800000 : f32
    %broadcast_in_dim3A_67 = vector.broadcast %jit3A_66 : f32 to vector<1024x1024xf32>
    %select_n3A_68 = arith.select %lt3A_65, %dot_general3A_15, %broadcast_in_dim3A_67 : vector<1024x1024xi1>, vector<1024x1024xf32>
    %reduce_max3A_69 = arith.constant dense<0xFF800000> : vector<1024xf32>
    %reduce_max3A_70 = vector.multi_reduction <maximumf>, %select_n3A_68, %reduce_max3A_69 [0] : vector<1024x1024xf32> to vector<1024xf32>
    %broadcast_in_dim3A_71 = vector.shape_cast %reduce_max3A_70 : vector<1024xf32> to vector<1x1024xf32>
    %eq3A_72 = vector.broadcast %broadcast_in_dim3A_71 : vector<1x1024xf32> to vector<1024x1024xf32>
    %eq3A_73 = arith.cmpf oeq, %dot_general3A_15, %eq3A_72 : vector<1024x1024xf32>
    %jit3A_74 = arith.constant 1073741824 : i32
    %broadcast_in_dim3A_75 = vector.broadcast %jit3A_74 : i32 to vector<1024x1024xi32>
    %select_n3A_76 = arith.select %eq3A_73, %iota3A_16, %broadcast_in_dim3A_75 : vector<1024x1024xi1>, vector<1024x1024xi32>
    %reduce_min3A_77 = arith.constant dense<2147483647> : vector<1024xi32>
    %reduce_min3A_78 = vector.multi_reduction <minsi>, %select_n3A_76, %reduce_min3A_77 [0] : vector<1024x1024xi32> to vector<1024xi32>
    %broadcast_in_dim3A_79 = vector.shape_cast %reduce_min3A_78 : vector<1024xi32> to vector<1x1024xi32>
    %add3A_80 = vector.broadcast %mul3A_17 : i32 to vector<1x1024xi32>
    %add3A_81 = arith.addi %broadcast_in_dim3A_79, %add3A_80 : vector<1x1024xi32>
    %lt3A_82 = vector.broadcast %broadcast_in_dim3A_71 : vector<1x1024xf32> to vector<1024x1024xf32>
    %lt3A_83 = arith.cmpf olt, %dot_general3A_15, %lt3A_82 : vector<1024x1024xf32>
    %jit3A_84 = arith.constant 0xFF800000 : f32
    %broadcast_in_dim3A_85 = vector.broadcast %jit3A_84 : f32 to vector<1024x1024xf32>
    %select_n3A_86 = arith.select %lt3A_83, %dot_general3A_15, %broadcast_in_dim3A_85 : vector<1024x1024xi1>, vector<1024x1024xf32>
    %reduce_max3A_87 = arith.constant dense<0xFF800000> : vector<1024xf32>
    %reduce_max3A_88 = vector.multi_reduction <maximumf>, %select_n3A_86, %reduce_max3A_87 [0] : vector<1024x1024xf32> to vector<1024xf32>
    %broadcast_in_dim3A_89 = vector.shape_cast %reduce_max3A_88 : vector<1024xf32> to vector<1x1024xf32>
    %eq3A_90 = vector.broadcast %broadcast_in_dim3A_89 : vector<1x1024xf32> to vector<1024x1024xf32>
    %eq3A_91 = arith.cmpf oeq, %dot_general3A_15, %eq3A_90 : vector<1024x1024xf32>
    %jit3A_92 = arith.constant 1073741824 : i32
    %broadcast_in_dim3A_93 = vector.broadcast %jit3A_92 : i32 to vector<1024x1024xi32>
    %select_n3A_94 = arith.select %eq3A_91, %iota3A_16, %broadcast_in_dim3A_93 : vector<1024x1024xi1>, vector<1024x1024xi32>
    %reduce_min3A_95 = arith.constant dense<2147483647> : vector<1024xi32>
    %reduce_min3A_96 = vector.multi_reduction <minsi>, %select_n3A_94, %reduce_min3A_95 [0] : vector<1024x1024xi32> to vector<1024xi32>
    %broadcast_in_dim3A_97 = vector.shape_cast %reduce_min3A_96 : vector<1024xi32> to vector<1x1024xi32>
    %add3A_98 = vector.broadcast %mul3A_17 : i32 to vector<1x1024xi32>
    %add3A_99 = arith.addi %broadcast_in_dim3A_97, %add3A_98 : vector<1x1024xi32>
    %lt3A_100 = vector.broadcast %broadcast_in_dim3A_89 : vector<1x1024xf32> to vector<1024x1024xf32>
    %lt3A_101 = arith.cmpf olt, %dot_general3A_15, %lt3A_100 : vector<1024x1024xf32>
    %jit3A_102 = arith.constant 0xFF800000 : f32
    %broadcast_in_dim3A_103 = vector.broadcast %jit3A_102 : f32 to vector<1024x1024xf32>
    %select_n3A_104 = arith.select %lt3A_101, %dot_general3A_15, %broadcast_in_dim3A_103 : vector<1024x1024xi1>, vector<1024x1024xf32>
    %reduce_max3A_105 = arith.constant dense<0xFF800000> : vector<1024xf32>
    %reduce_max3A_106 = vector.multi_reduction <maximumf>, %select_n3A_104, %reduce_max3A_105 [0] : vector<1024x1024xf32> to vector<1024xf32>
    %broadcast_in_dim3A_107 = vector.shape_cast %reduce_max3A_106 : vector<1024xf32> to vector<1x1024xf32>
    %eq3A_108 = vector.broadcast %broadcast_in_dim3A_107 : vector<1x1024xf32> to vector<1024x1024xf32>
    %eq3A_109 = arith.cmpf oeq, %dot_general3A_15, %eq3A_108 : vector<1024x1024xf32>
    %jit3A_110 = arith.constant 1073741824 : i32
    %broadcast_in_dim3A_111 = vector.broadcast %jit3A_110 : i32 to vector<1024x1024xi32>
    %select_n3A_112 = arith.select %eq3A_109, %iota3A_16, %broadcast_in_dim3A_111 : vector<1024x1024xi1>, vector<1024x1024xi32>
    %reduce_min3A_113 = arith.constant dense<2147483647> : vector<1024xi32>
    %reduce_min3A_114 = vector.multi_reduction <minsi>, %select_n3A_112, %reduce_min3A_113 [0] : vector<1024x1024xi32> to vector<1024xi32>
    %broadcast_in_dim3A_115 = vector.shape_cast %reduce_min3A_114 : vector<1024xi32> to vector<1x1024xi32>
    %add3A_116 = vector.broadcast %mul3A_17 : i32 to vector<1x1024xi32>
    %add3A_117 = arith.addi %broadcast_in_dim3A_115, %add3A_116 : vector<1x1024xi32>
    %lt3A_118 = vector.broadcast %broadcast_in_dim3A_107 : vector<1x1024xf32> to vector<1024x1024xf32>
    %lt3A_119 = arith.cmpf olt, %dot_general3A_15, %lt3A_118 : vector<1024x1024xf32>
    %jit3A_120 = arith.constant 0xFF800000 : f32
    %broadcast_in_dim3A_121 = vector.broadcast %jit3A_120 : f32 to vector<1024x1024xf32>
    %select_n3A_122 = arith.select %lt3A_119, %dot_general3A_15, %broadcast_in_dim3A_121 : vector<1024x1024xi1>, vector<1024x1024xf32>
    %reduce_max3A_123 = arith.constant dense<0xFF800000> : vector<1024xf32>
    %reduce_max3A_124 = vector.multi_reduction <maximumf>, %select_n3A_122, %reduce_max3A_123 [0] : vector<1024x1024xf32> to vector<1024xf32>
    %broadcast_in_dim3A_125 = vector.shape_cast %reduce_max3A_124 : vector<1024xf32> to vector<1x1024xf32>
    %eq3A_126 = vector.broadcast %broadcast_in_dim3A_125 : vector<1x1024xf32> to vector<1024x1024xf32>
    %eq3A_127 = arith.cmpf oeq, %dot_general3A_15, %eq3A_126 : vector<1024x1024xf32>
    %jit3A_128 = arith.constant 1073741824 : i32
    %broadcast_in_dim3A_129 = vector.broadcast %jit3A_128 : i32 to vector<1024x1024xi32>
    %select_n3A_130 = arith.select %eq3A_127, %iota3A_16, %broadcast_in_dim3A_129 : vector<1024x1024xi1>, vector<1024x1024xi32>
    %reduce_min3A_131 = arith.constant dense<2147483647> : vector<1024xi32>
    %reduce_min3A_132 = vector.multi_reduction <minsi>, %select_n3A_130, %reduce_min3A_131 [0] : vector<1024x1024xi32> to vector<1024xi32>
    %broadcast_in_dim3A_133 = vector.shape_cast %reduce_min3A_132 : vector<1024xi32> to vector<1x1024xi32>
    %add3A_134 = vector.broadcast %mul3A_17 : i32 to vector<1x1024xi32>
    %add3A_135 = arith.addi %broadcast_in_dim3A_133, %add3A_134 : vector<1x1024xi32>
    %lt3A_136 = vector.broadcast %broadcast_in_dim3A_125 : vector<1x1024xf32> to vector<1024x1024xf32>
    %lt3A_137 = arith.cmpf olt, %dot_general3A_15, %lt3A_136 : vector<1024x1024xf32>
    %jit3A_138 = arith.constant 0xFF800000 : f32
    %broadcast_in_dim3A_139 = vector.broadcast %jit3A_138 : f32 to vector<1024x1024xf32>
    %select_n3A_140 = arith.select %lt3A_137, %dot_general3A_15, %broadcast_in_dim3A_139 : vector<1024x1024xi1>, vector<1024x1024xf32>
    %reduce_max3A_141 = arith.constant dense<0xFF800000> : vector<1024xf32>
    %reduce_max3A_142 = vector.multi_reduction <maximumf>, %select_n3A_140, %reduce_max3A_141 [0] : vector<1024x1024xf32> to vector<1024xf32>
    %broadcast_in_dim3A_143 = vector.shape_cast %reduce_max3A_142 : vector<1024xf32> to vector<1x1024xf32>
    %eq3A_144 = vector.broadcast %broadcast_in_dim3A_143 : vector<1x1024xf32> to vector<1024x1024xf32>
    %eq3A_145 = arith.cmpf oeq, %dot_general3A_15, %eq3A_144 : vector<1024x1024xf32>
    %jit3A_146 = arith.constant 1073741824 : i32
    %broadcast_in_dim3A_147 = vector.broadcast %jit3A_146 : i32 to vector<1024x1024xi32>
    %select_n3A_148 = arith.select %eq3A_145, %iota3A_16, %broadcast_in_dim3A_147 : vector<1024x1024xi1>, vector<1024x1024xi32>
    %reduce_min3A_149 = arith.constant dense<2147483647> : vector<1024xi32>
    %reduce_min3A_150 = vector.multi_reduction <minsi>, %select_n3A_148, %reduce_min3A_149 [0] : vector<1024x1024xi32> to vector<1024xi32>
    %broadcast_in_dim3A_151 = vector.shape_cast %reduce_min3A_150 : vector<1024xi32> to vector<1x1024xi32>
    %add3A_152 = vector.broadcast %mul3A_17 : i32 to vector<1x1024xi32>
    %add3A_153 = arith.addi %broadcast_in_dim3A_151, %add3A_152 : vector<1x1024xi32>
    %lt3A_154 = vector.broadcast %broadcast_in_dim3A_143 : vector<1x1024xf32> to vector<1024x1024xf32>
    %lt3A_155 = arith.cmpf olt, %dot_general3A_15, %lt3A_154 : vector<1024x1024xf32>
    %jit3A_156 = arith.constant 0xFF800000 : f32
    %broadcast_in_dim3A_157 = vector.broadcast %jit3A_156 : f32 to vector<1024x1024xf32>
    %select_n3A_158 = arith.select %lt3A_155, %dot_general3A_15, %broadcast_in_dim3A_157 : vector<1024x1024xi1>, vector<1024x1024xf32>
    %reduce_max3A_159 = arith.constant dense<0xFF800000> : vector<1024xf32>
    %reduce_max3A_160 = vector.multi_reduction <maximumf>, %select_n3A_158, %reduce_max3A_159 [0] : vector<1024x1024xf32> to vector<1024xf32>
    %broadcast_in_dim3A_161 = vector.shape_cast %reduce_max3A_160 : vector<1024xf32> to vector<1x1024xf32>
    %eq3A_162 = vector.broadcast %broadcast_in_dim3A_161 : vector<1x1024xf32> to vector<1024x1024xf32>
    %eq3A_163 = arith.cmpf oeq, %dot_general3A_15, %eq3A_162 : vector<1024x1024xf32>
    %jit3A_164 = arith.constant 1073741824 : i32
    %broadcast_in_dim3A_165 = vector.broadcast %jit3A_164 : i32 to vector<1024x1024xi32>
    %select_n3A_166 = arith.select %eq3A_163, %iota3A_16, %broadcast_in_dim3A_165 : vector<1024x1024xi1>, vector<1024x1024xi32>
    %reduce_min3A_167 = arith.constant dense<2147483647> : vector<1024xi32>
    %reduce_min3A_168 = vector.multi_reduction <minsi>, %select_n3A_166, %reduce_min3A_167 [0] : vector<1024x1024xi32> to vector<1024xi32>
    %broadcast_in_dim3A_169 = vector.shape_cast %reduce_min3A_168 : vector<1024xi32> to vector<1x1024xi32>
    %add3A_170 = vector.broadcast %mul3A_17 : i32 to vector<1x1024xi32>
    %add3A_171 = arith.addi %broadcast_in_dim3A_169, %add3A_170 : vector<1x1024xi32>
    %concatenate3A_172 = tpu.concatenate %add3A_27, %add3A_45, %add3A_63, %add3A_81, %add3A_99, %add3A_117, %add3A_135, %add3A_153, %add3A_171, %add3A_27, %add3A_27, %add3A_27, %add3A_27, %add3A_27, %add3A_27, %add3A_27 in 0 : vector<1x1024xi32>, vector<1x1024xi32>, vector<1x1024xi32>, vector<1x1024xi32>, vector<1x1024xi32>, vector<1x1024xi32>, vector<1x1024xi32>, vector<1x1024xi32>, vector<1x1024xi32>, vector<1x1024xi32>, vector<1x1024xi32>, vector<1x1024xi32>, vector<1x1024xi32>, vector<1x1024xi32>, vector<1x1024xi32>, vector<1x1024xi32> -> vector<16x1024xi32>
    %swap3A = arith.constant 0 : index
    %swap3A_173 = arith.constant 0 : index
    %swap3A_174 = arith.constant 0 : index
    %swap3A_175 = vector.load %arg3[%swap3A, %swap3A_173, %swap3A_174] : memref<1x16x1024xi32, #tpu.memory_space<vmem>>, vector<1x16x1024xi32>
    %swap3A_176 = vector.shape_cast %swap3A_175 : vector<1x16x1024xi32> to vector<16x1024xi32>
    %swap3A_177 = vector.shape_cast %concatenate3A_172 : vector<16x1024xi32> to vector<1x16x1024xi32>
    tpu.vector_store %arg3[%swap3A, %swap3A_173, %swap3A_174], %swap3A_177 {strides = array<i32>} : memref<1x16x1024xi32, #tpu.memory_space<vmem>>, vector<1x16x1024xi32>,
    %swap3A_178 = arith.constant 0 : index
    %swap3A_179 = arith.constant 0 : index
    %swap3A_180 = arith.constant 0 : index
    %swap3A_181 = vector.load %arg2[%swap3A_178, %swap3A_179, %swap3A_180] : memref<1x1024x128xf32, #tpu.memory_space<vmem>>, vector<1x1024x128xf32>
    %swap3A_182 = vector.shape_cast %swap3A_181 : vector<1x1024x128xf32> to vector<1024x128xf32>
    %swap3A_183 = vector.shape_cast %concatenate3A : vector<1024x128xf32> to vector<1x1024x128xf32>
    tpu.vector_store %arg2[%swap3A_178, %swap3A_179, %swap3A_180], %swap3A_183 {strides = array<i32>} : memref<1x1024x128xf32, #tpu.memory_space<vmem>>, vector<1x1024x128xf32>,
    return
  }
  func.func @transform_0(%arg0: i32) -> (i32, i32, i32) {
    %c0_i32 = arith.constant 0 : i32
    %c0_i32_0 = arith.constant 0 : i32
    %c0_i32_1 = arith.constant 0 : i32
    return %arg0, %c0_i32, %c0_i32_0 : i32, i32, i32
  }
  func.func @transform_1(%arg0: i32) -> (i32, i32, i32) {
    %c0_i32 = arith.constant 0 : i32
    %c0_i32_0 = arith.constant 0 : i32
    %c0_i32_1 = arith.constant 0 : i32
    return %arg0, %c0_i32, %c0_i32_0 : i32, i32, i32
  }
  func.func @transform_2(%arg0: i32) -> (i32, i32, i32) {
    %c0_i32 = arith.constant 0 : i32
    %c0_i32_0 = arith.constant 0 : i32
    %c0_i32_1 = arith.constant 0 : i32
    return %arg0, %c0_i32, %c0_i32_0 : i32, i32, i32
  }
}

module attributes {stable_mosaic.version = 14 : i64} {
  func.func @_tail_kernel(%arg0: i32, %arg1: memref<1x9x1024x128xf32, #tpu.memory_space<vmem>>, %arg2: memref<1x1024x128xf32, #tpu.memory_space<vmem>>, %arg3: memref<1x1024x96xf32, #tpu.memory_space<vmem>>, %arg4: memref<96x96xf32, #tpu.memory_space<vmem>>, %arg5: memref<96x96xf32, #tpu.memory_space<vmem>>, %arg6: memref<1x96xf32, #tpu.memory_space<vmem>>, %arg7: memref<1x1xf32, #tpu.memory_space<vmem>>, %arg8: memref<96x96xf32, #tpu.memory_space<vmem>>, %arg9: memref<1x96xf32, #tpu.memory_space<vmem>>, %arg10: memref<1x1xf32, #tpu.memory_space<vmem>>, %arg11: memref<96x96xf32, #tpu.memory_space<vmem>>, %arg12: memref<1x96xf32, #tpu.memory_space<vmem>>, %arg13: memref<1x1xf32, #tpu.memory_space<vmem>>, %arg14: memref<1x1024x96xf32, #tpu.memory_space<vmem>>) attributes {dimension_semantics = [#tpu.dimension_semantics<arbitrary>], iteration_bounds = array<i64: 16>, scalar_prefetch = 0 : i64, scratch_operands = 0 : i64, tpu.core_type = #tpu.core_type<tc>, window_params = [{transform_indices = @transform_0, window_bounds = array<i64: 1, 9, 1024, 128>}, {transform_indices = @transform_1, window_bounds = array<i64: 1, 1024, 128>}, {transform_indices = @transform_2, window_bounds = array<i64: 1, 1024, 96>}, {pipeline_mode = #tpu.pipeline_mode<synchronous>, transform_indices = @transform_3, window_bounds = array<i64: 96, 96>}, {pipeline_mode = #tpu.pipeline_mode<synchronous>, transform_indices = @transform_4, window_bounds = array<i64: 96, 96>}, {pipeline_mode = #tpu.pipeline_mode<synchronous>, transform_indices = @transform_5, window_bounds = array<i64: 1, 96>}, {pipeline_mode = #tpu.pipeline_mode<synchronous>, transform_indices = @transform_6, window_bounds = array<i64: 1, 1>}, {pipeline_mode = #tpu.pipeline_mode<synchronous>, transform_indices = @transform_7, window_bounds = array<i64: 96, 96>}, {pipeline_mode = #tpu.pipeline_mode<synchronous>, transform_indices = @transform_8, window_bounds = array<i64: 1, 96>}, {pipeline_mode = #tpu.pipeline_mode<synchronous>, transform_indices = @transform_9, window_bounds = array<i64: 1, 1>}, {pipeline_mode = #tpu.pipeline_mode<synchronous>, transform_indices = @transform_10, window_bounds = array<i64: 96, 96>}, {pipeline_mode = #tpu.pipeline_mode<synchronous>, transform_indices = @transform_11, window_bounds = array<i64: 1, 96>}, {pipeline_mode = #tpu.pipeline_mode<synchronous>, transform_indices = @transform_12, window_bounds = array<i64: 1, 1>}, {transform_indices = @transform_13, window_bounds = array<i64: 1, 1024, 96>}]} {
    %get3A = arith.constant 0 : index
    %get3A_0 = arith.constant 0 : index
    %get3A_1 = arith.constant 0 : index
    %get3A_2 = vector.load %arg2[%get3A, %get3A_0, %get3A_1] : memref<1x1024x128xf32, #tpu.memory_space<vmem>>, vector<1x1024x128xf32>
    %get3A_3 = vector.shape_cast %get3A_2 : vector<1x1024x128xf32> to vector<1024x128xf32>
    %slice3A = vector.extract_strided_slice %get3A_3 {offsets = [0, 0], sizes = [1024, 96], strides = [1, 1]} : vector<1024x128xf32> to vector<1024x96xf32>
    %get3A_4 = arith.constant 0 : index
    %get3A_5 = arith.constant 0 : index
    %get3A_6 = arith.constant 0 : index
    %get3A_7 = arith.constant 0 : index
    %get3A_8 = vector.load %arg1[%get3A_4, %get3A_5, %get3A_6, %get3A_7] : memref<1x9x1024x128xf32, #tpu.memory_space<vmem>>, vector<1x9x1024x128xf32>
    %get3A_9 = vector.shape_cast %get3A_8 : vector<1x9x1024x128xf32> to vector<9x1024x128xf32>
    %reduce_max3A = arith.constant dense<0xFF800000> : vector<1024x128xf32>
    %reduce_max3A_10 = vector.multi_reduction <maximumf>, %get3A_9, %reduce_max3A [0] : vector<9x1024x128xf32> to vector<1024x128xf32>
    %slice3A_11 = vector.extract_strided_slice %reduce_max3A_10 {offsets = [0, 0], sizes = [1024, 96], strides = [1, 1]} : vector<1024x128xf32> to vector<1024x96xf32>
    %sub3A = arith.subf %slice3A_11, %slice3A : vector<1024x96xf32>
    %integer_pow3A = arith.mulf %slice3A, %slice3A : vector<1024x96xf32>
    %integer_pow3A_12 = arith.mulf %slice3A, %integer_pow3A : vector<1024x96xf32>
    %mul3A = arith.constant 4.471500e-02 : f32
    %mul3A_13 = vector.broadcast %mul3A : f32 to vector<1024x96xf32>
    %mul3A_14 = arith.mulf %mul3A_13, %integer_pow3A_12 : vector<1024x96xf32>
    %add3A = arith.addf %slice3A, %mul3A_14 : vector<1024x96xf32>
    %mul3A_15 = arith.constant 0.797884583 : f32
    %mul3A_16 = vector.broadcast %mul3A_15 : f32 to vector<1024x96xf32>
    %mul3A_17 = arith.mulf %mul3A_16, %add3A : vector<1024x96xf32>
    %tanh3A = math.tanh %mul3A_17 : vector<1024x96xf32>
    %add3A_18 = arith.constant 1.000000e+00 : f32
    %add3A_19 = vector.broadcast %add3A_18 : f32 to vector<1024x96xf32>
    %add3A_20 = arith.addf %add3A_19, %tanh3A : vector<1024x96xf32>
    %mul3A_21 = arith.constant 5.000000e-01 : f32
    %mul3A_22 = vector.broadcast %mul3A_21 : f32 to vector<1024x96xf32>
    %mul3A_23 = arith.mulf %mul3A_22, %add3A_20 : vector<1024x96xf32>
    %mul3A_24 = arith.mulf %slice3A, %mul3A_23 : vector<1024x96xf32>
    %get3A_25 = arith.constant 0 : index
    %get3A_26 = arith.constant 0 : index
    %get3A_27 = vector.load %arg4[%get3A_25, %get3A_26] : memref<96x96xf32, #tpu.memory_space<vmem>>, vector<96x96xf32>
    %dot_general3A = arith.constant dense<0.000000e+00> : vector<1024x96xf32>
    %dot_general3A_28 = tpu.matmul %mul3A_24, %get3A_27, %dot_general3A {dimension_numbers = #tpu.dot_dimension_numbers<[1], [1], [0], [0], [0, 0, 1, 0], [], []>, transpose_lhs_hint = false} : vector<1024x96xf32>, vector<96x96xf32>, vector<1024x96xf32> -> vector<1024x96xf32>
    %integer_pow3A_29 = arith.mulf %sub3A, %sub3A : vector<1024x96xf32>
    %integer_pow3A_30 = arith.mulf %sub3A, %integer_pow3A_29 : vector<1024x96xf32>
    %mul3A_31 = arith.constant 4.471500e-02 : f32
    %mul3A_32 = vector.broadcast %mul3A_31 : f32 to vector<1024x96xf32>
    %mul3A_33 = arith.mulf %mul3A_32, %integer_pow3A_30 : vector<1024x96xf32>
    %add3A_34 = arith.addf %sub3A, %mul3A_33 : vector<1024x96xf32>
    %mul3A_35 = arith.constant 0.797884583 : f32
    %mul3A_36 = vector.broadcast %mul3A_35 : f32 to vector<1024x96xf32>
    %mul3A_37 = arith.mulf %mul3A_36, %add3A_34 : vector<1024x96xf32>
    %tanh3A_38 = math.tanh %mul3A_37 : vector<1024x96xf32>
    %add3A_39 = arith.constant 1.000000e+00 : f32
    %add3A_40 = vector.broadcast %add3A_39 : f32 to vector<1024x96xf32>
    %add3A_41 = arith.addf %add3A_40, %tanh3A_38 : vector<1024x96xf32>
    %mul3A_42 = arith.constant 5.000000e-01 : f32
    %mul3A_43 = vector.broadcast %mul3A_42 : f32 to vector<1024x96xf32>
    %mul3A_44 = arith.mulf %mul3A_43, %add3A_41 : vector<1024x96xf32>
    %mul3A_45 = arith.mulf %sub3A, %mul3A_44 : vector<1024x96xf32>
    %get3A_46 = arith.constant 0 : index
    %get3A_47 = arith.constant 0 : index
    %get3A_48 = vector.load %arg5[%get3A_46, %get3A_47] : memref<96x96xf32, #tpu.memory_space<vmem>>, vector<96x96xf32>
    %dot_general3A_49 = arith.constant dense<0.000000e+00> : vector<1024x96xf32>
    %dot_general3A_50 = tpu.matmul %mul3A_45, %get3A_48, %dot_general3A_49 {dimension_numbers = #tpu.dot_dimension_numbers<[1], [1], [0], [0], [0, 0, 1, 0], [], []>, transpose_lhs_hint = false} : vector<1024x96xf32>, vector<96x96xf32>, vector<1024x96xf32> -> vector<1024x96xf32>
    %add3A_51 = arith.addf %dot_general3A_28, %dot_general3A_50 : vector<1024x96xf32>
    %get3A_52 = arith.constant 0 : index
    %get3A_53 = arith.constant 0 : index
    %get3A_54 = vector.load %arg6[%get3A_52, %get3A_53] : memref<1x96xf32, #tpu.memory_space<vmem>>, vector<1x96xf32>
    %add3A_55 = vector.broadcast %get3A_54 : vector<1x96xf32> to vector<1024x96xf32>
    %add3A_56 = arith.addf %add3A_51, %add3A_55 : vector<1024x96xf32>
    %get3A_57 = arith.constant 0 : index
    %get3A_58 = arith.constant 0 : index
    %get3A_59 = vector.load %arg7[%get3A_57, %get3A_58] : memref<1x1xf32, #tpu.memory_space<vmem>>, vector<1x1xf32>
    %get3A_60 = vector.extract %get3A_59[0, 0] : f32 from vector<1x1xf32>
    %iota3A = tpu.iota {dimensions = array<i32: 1>} : vector<1024x96xi32>
    %slice3A_61 = vector.extract_strided_slice %add3A_56 {offsets = [0, 0], sizes = [1024, 1], strides = [1, 1]} : vector<1024x96xf32> to vector<1024x1xf32>
    %logistic3A = arith.negf %slice3A_61 : vector<1024x1xf32>
    %logistic3A_62 = math.exp %logistic3A : vector<1024x1xf32>
    %logistic3A_63 = arith.constant 1.000000e+00 : f32
    %logistic3A_64 = vector.broadcast %logistic3A_63 : f32 to vector<1024x1xf32>
    %logistic3A_65 = arith.addf %logistic3A_64, %logistic3A_62 : vector<1024x1xf32>
    %logistic3A_66 = arith.divf %logistic3A_64, %logistic3A_65 : vector<1024x1xf32>
    %exp3A = math.exp %get3A_60 : f32
    %mul3A_67 = vector.broadcast %exp3A : f32 to vector<1024x1xf32>
    %mul3A_68 = arith.mulf %logistic3A_66, %mul3A_67 : vector<1024x1xf32>
    %add3A_69 = arith.constant 1.100000e+00 : f32
    %add3A_70 = vector.broadcast %add3A_69 : f32 to vector<1024x1xf32>
    %add3A_71 = arith.addf %mul3A_68, %add3A_70 : vector<1024x1xf32>
    %eq3A = arith.constant 0 : i32
    %eq3A_72 = vector.broadcast %eq3A : i32 to vector<1024x96xi32>
    %eq3A_73 = arith.cmpi eq, %iota3A, %eq3A_72 : vector<1024x96xi32>
    %jit3A = arith.constant 0.000000e+00 : f32
    %broadcast_in_dim3A = vector.broadcast %jit3A : f32 to vector<1024x96xf32>
    %select_n3A = arith.select %eq3A_73, %broadcast_in_dim3A, %add3A_56 : vector<1024x96xi1>, vector<1024x96xf32>
    %mul3A_74 = arith.mulf %select_n3A, %select_n3A : vector<1024x96xf32>
    %reduce_sum3A = arith.constant dense<0.000000e+00> : vector<1024xf32>
    %reduce_sum3A_75 = vector.multi_reduction <add>, %mul3A_74, %reduce_sum3A [1] : vector<1024x96xf32> to vector<1024xf32>
    %broadcast_in_dim3A_76 = vector.shape_cast %reduce_sum3A_75 : vector<1024xf32> to vector<1024x1xf32>
    %mul3A_77 = arith.mulf %add3A_71, %add3A_71 : vector<1024x1xf32>
    %sub3A_78 = arith.constant 1.000000e+00 : f32
    %sub3A_79 = vector.broadcast %sub3A_78 : f32 to vector<1024x1xf32>
    %sub3A_80 = arith.subf %mul3A_77, %sub3A_79 : vector<1024x1xf32>
    %max3A = arith.constant 9.99999993E-9 : f32
    %max3A_81 = vector.broadcast %max3A : f32 to vector<1024x1xf32>
    %max3A_82 = arith.maximumf %broadcast_in_dim3A_76, %max3A_81 : vector<1024x1xf32>
    %div3A = arith.divf %sub3A_80, %max3A_82 : vector<1024x1xf32>
    %sqrt3A = math.sqrt %div3A : vector<1024x1xf32>
    %eq3A_83 = arith.constant 0 : i32
    %eq3A_84 = vector.broadcast %eq3A_83 : i32 to vector<1024x96xi32>
    %eq3A_85 = arith.cmpi eq, %iota3A, %eq3A_84 : vector<1024x96xi32>
    %mul3A_86 = vector.broadcast %sqrt3A : vector<1024x1xf32> to vector<1024x96xf32>
    %mul3A_87 = arith.mulf %add3A_56, %mul3A_86 : vector<1024x96xf32>
    %broadcast_in_dim3A_88 = vector.shape_cast %add3A_71 : vector<1024x1xf32> to vector<1024x1xf32>
    %broadcast_in_dim3A_89 = vector.broadcast %broadcast_in_dim3A_88 : vector<1024x1xf32> to vector<1024x96xf32>
    %select_n3A_90 = arith.select %eq3A_85, %broadcast_in_dim3A_89, %mul3A_87 : vector<1024x96xi1>, vector<1024x96xf32>
    %get3A_91 = arith.constant 0 : index
    %get3A_92 = arith.constant 0 : index
    %get3A_93 = vector.load %arg8[%get3A_91, %get3A_92] : memref<96x96xf32, #tpu.memory_space<vmem>>, vector<96x96xf32>
    %get3A_94 = arith.constant 0 : index
    %get3A_95 = arith.constant 0 : index
    %get3A_96 = vector.load %arg9[%get3A_94, %get3A_95] : memref<1x96xf32, #tpu.memory_space<vmem>>, vector<1x96xf32>
    %get3A_97 = arith.constant 0 : index
    %get3A_98 = arith.constant 0 : index
    %get3A_99 = vector.load %arg10[%get3A_97, %get3A_98] : memref<1x1xf32, #tpu.memory_space<vmem>>, vector<1x1xf32>
    %get3A_100 = vector.extract %get3A_99[0, 0] : f32 from vector<1x1xf32>
    %integer_pow3A_101 = arith.mulf %select_n3A_90, %select_n3A_90 : vector<1024x96xf32>
    %integer_pow3A_102 = arith.mulf %select_n3A_90, %integer_pow3A_101 : vector<1024x96xf32>
    %mul3A_103 = arith.constant 4.471500e-02 : f32
    %mul3A_104 = vector.broadcast %mul3A_103 : f32 to vector<1024x96xf32>
    %mul3A_105 = arith.mulf %mul3A_104, %integer_pow3A_102 : vector<1024x96xf32>
    %add3A_106 = arith.addf %select_n3A_90, %mul3A_105 : vector<1024x96xf32>
    %mul3A_107 = arith.constant 0.797884583 : f32
    %mul3A_108 = vector.broadcast %mul3A_107 : f32 to vector<1024x96xf32>
    %mul3A_109 = arith.mulf %mul3A_108, %add3A_106 : vector<1024x96xf32>
    %tanh3A_110 = math.tanh %mul3A_109 : vector<1024x96xf32>
    %add3A_111 = arith.constant 1.000000e+00 : f32
    %add3A_112 = vector.broadcast %add3A_111 : f32 to vector<1024x96xf32>
    %add3A_113 = arith.addf %add3A_112, %tanh3A_110 : vector<1024x96xf32>
    %mul3A_114 = arith.constant 5.000000e-01 : f32
    %mul3A_115 = vector.broadcast %mul3A_114 : f32 to vector<1024x96xf32>
    %mul3A_116 = arith.mulf %mul3A_115, %add3A_113 : vector<1024x96xf32>
    %mul3A_117 = arith.mulf %select_n3A_90, %mul3A_116 : vector<1024x96xf32>
    %dot_general3A_118 = arith.constant dense<0.000000e+00> : vector<1024x96xf32>
    %dot_general3A_119 = tpu.matmul %mul3A_117, %get3A_93, %dot_general3A_118 {dimension_numbers = #tpu.dot_dimension_numbers<[1], [1], [0], [0], [0, 0, 1, 0], [], []>, transpose_lhs_hint = false} : vector<1024x96xf32>, vector<96x96xf32>, vector<1024x96xf32> -> vector<1024x96xf32>
    %add3A_120 = vector.broadcast %get3A_96 : vector<1x96xf32> to vector<1024x96xf32>
    %add3A_121 = arith.addf %dot_general3A_119, %add3A_120 : vector<1024x96xf32>
    %iota3A_122 = tpu.iota {dimensions = array<i32: 1>} : vector<1024x96xi32>
    %slice3A_123 = vector.extract_strided_slice %add3A_121 {offsets = [0, 0], sizes = [1024, 1], strides = [1, 1]} : vector<1024x96xf32> to vector<1024x1xf32>
    %logistic3A_124 = arith.negf %slice3A_123 : vector<1024x1xf32>
    %logistic3A_125 = math.exp %logistic3A_124 : vector<1024x1xf32>
    %logistic3A_126 = arith.constant 1.000000e+00 : f32
    %logistic3A_127 = vector.broadcast %logistic3A_126 : f32 to vector<1024x1xf32>
    %logistic3A_128 = arith.addf %logistic3A_127, %logistic3A_125 : vector<1024x1xf32>
    %logistic3A_129 = arith.divf %logistic3A_127, %logistic3A_128 : vector<1024x1xf32>
    %exp3A_130 = math.exp %get3A_100 : f32
    %mul3A_131 = vector.broadcast %exp3A_130 : f32 to vector<1024x1xf32>
    %mul3A_132 = arith.mulf %logistic3A_129, %mul3A_131 : vector<1024x1xf32>
    %add3A_133 = arith.constant 1.100000e+00 : f32
    %add3A_134 = vector.broadcast %add3A_133 : f32 to vector<1024x1xf32>
    %add3A_135 = arith.addf %mul3A_132, %add3A_134 : vector<1024x1xf32>
    %eq3A_136 = arith.constant 0 : i32
    %eq3A_137 = vector.broadcast %eq3A_136 : i32 to vector<1024x96xi32>
    %eq3A_138 = arith.cmpi eq, %iota3A_122, %eq3A_137 : vector<1024x96xi32>
    %jit3A_139 = arith.constant 0.000000e+00 : f32
    %broadcast_in_dim3A_140 = vector.broadcast %jit3A_139 : f32 to vector<1024x96xf32>
    %select_n3A_141 = arith.select %eq3A_138, %broadcast_in_dim3A_140, %add3A_121 : vector<1024x96xi1>, vector<1024x96xf32>
    %mul3A_142 = arith.mulf %select_n3A_141, %select_n3A_141 : vector<1024x96xf32>
    %reduce_sum3A_143 = arith.constant dense<0.000000e+00> : vector<1024xf32>
    %reduce_sum3A_144 = vector.multi_reduction <add>, %mul3A_142, %reduce_sum3A_143 [1] : vector<1024x96xf32> to vector<1024xf32>
    %broadcast_in_dim3A_145 = vector.shape_cast %reduce_sum3A_144 : vector<1024xf32> to vector<1024x1xf32>
    %mul3A_146 = arith.mulf %add3A_135, %add3A_135 : vector<1024x1xf32>
    %sub3A_147 = arith.constant 1.000000e+00 : f32
    %sub3A_148 = vector.broadcast %sub3A_147 : f32 to vector<1024x1xf32>
    %sub3A_149 = arith.subf %mul3A_146, %sub3A_148 : vector<1024x1xf32>
    %max3A_150 = arith.constant 9.99999993E-9 : f32
    %max3A_151 = vector.broadcast %max3A_150 : f32 to vector<1024x1xf32>
    %max3A_152 = arith.maximumf %broadcast_in_dim3A_145, %max3A_151 : vector<1024x1xf32>
    %div3A_153 = arith.divf %sub3A_149, %max3A_152 : vector<1024x1xf32>
    %sqrt3A_154 = math.sqrt %div3A_153 : vector<1024x1xf32>
    %eq3A_155 = arith.constant 0 : i32
    %eq3A_156 = vector.broadcast %eq3A_155 : i32 to vector<1024x96xi32>
    %eq3A_157 = arith.cmpi eq, %iota3A_122, %eq3A_156 : vector<1024x96xi32>
    %mul3A_158 = vector.broadcast %sqrt3A_154 : vector<1024x1xf32> to vector<1024x96xf32>
    %mul3A_159 = arith.mulf %add3A_121, %mul3A_158 : vector<1024x96xf32>
    %broadcast_in_dim3A_160 = vector.shape_cast %add3A_135 : vector<1024x1xf32> to vector<1024x1xf32>
    %broadcast_in_dim3A_161 = vector.broadcast %broadcast_in_dim3A_160 : vector<1024x1xf32> to vector<1024x96xf32>
    %select_n3A_162 = arith.select %eq3A_157, %broadcast_in_dim3A_161, %mul3A_159 : vector<1024x96xi1>, vector<1024x96xf32>
    %get3A_163 = arith.constant 0 : index
    %get3A_164 = arith.constant 0 : index
    %get3A_165 = vector.load %arg11[%get3A_163, %get3A_164] : memref<96x96xf32, #tpu.memory_space<vmem>>, vector<96x96xf32>
    %get3A_166 = arith.constant 0 : index
    %get3A_167 = arith.constant 0 : index
    %get3A_168 = vector.load %arg12[%get3A_166, %get3A_167] : memref<1x96xf32, #tpu.memory_space<vmem>>, vector<1x96xf32>
    %get3A_169 = arith.constant 0 : index
    %get3A_170 = arith.constant 0 : index
    %get3A_171 = vector.load %arg13[%get3A_169, %get3A_170] : memref<1x1xf32, #tpu.memory_space<vmem>>, vector<1x1xf32>
    %get3A_172 = vector.extract %get3A_171[0, 0] : f32 from vector<1x1xf32>
    %integer_pow3A_173 = arith.mulf %select_n3A_162, %select_n3A_162 : vector<1024x96xf32>
    %integer_pow3A_174 = arith.mulf %select_n3A_162, %integer_pow3A_173 : vector<1024x96xf32>
    %mul3A_175 = arith.constant 4.471500e-02 : f32
    %mul3A_176 = vector.broadcast %mul3A_175 : f32 to vector<1024x96xf32>
    %mul3A_177 = arith.mulf %mul3A_176, %integer_pow3A_174 : vector<1024x96xf32>
    %add3A_178 = arith.addf %select_n3A_162, %mul3A_177 : vector<1024x96xf32>
    %mul3A_179 = arith.constant 0.797884583 : f32
    %mul3A_180 = vector.broadcast %mul3A_179 : f32 to vector<1024x96xf32>
    %mul3A_181 = arith.mulf %mul3A_180, %add3A_178 : vector<1024x96xf32>
    %tanh3A_182 = math.tanh %mul3A_181 : vector<1024x96xf32>
    %add3A_183 = arith.constant 1.000000e+00 : f32
    %add3A_184 = vector.broadcast %add3A_183 : f32 to vector<1024x96xf32>
    %add3A_185 = arith.addf %add3A_184, %tanh3A_182 : vector<1024x96xf32>
    %mul3A_186 = arith.constant 5.000000e-01 : f32
    %mul3A_187 = vector.broadcast %mul3A_186 : f32 to vector<1024x96xf32>
    %mul3A_188 = arith.mulf %mul3A_187, %add3A_185 : vector<1024x96xf32>
    %mul3A_189 = arith.mulf %select_n3A_162, %mul3A_188 : vector<1024x96xf32>
    %dot_general3A_190 = arith.constant dense<0.000000e+00> : vector<1024x96xf32>
    %dot_general3A_191 = tpu.matmul %mul3A_189, %get3A_165, %dot_general3A_190 {dimension_numbers = #tpu.dot_dimension_numbers<[1], [1], [0], [0], [0, 0, 1, 0], [], []>, transpose_lhs_hint = false} : vector<1024x96xf32>, vector<96x96xf32>, vector<1024x96xf32> -> vector<1024x96xf32>
    %add3A_192 = vector.broadcast %get3A_168 : vector<1x96xf32> to vector<1024x96xf32>
    %add3A_193 = arith.addf %dot_general3A_191, %add3A_192 : vector<1024x96xf32>
    %iota3A_194 = tpu.iota {dimensions = array<i32: 1>} : vector<1024x96xi32>
    %slice3A_195 = vector.extract_strided_slice %add3A_193 {offsets = [0, 0], sizes = [1024, 1], strides = [1, 1]} : vector<1024x96xf32> to vector<1024x1xf32>
    %logistic3A_196 = arith.negf %slice3A_195 : vector<1024x1xf32>
    %logistic3A_197 = math.exp %logistic3A_196 : vector<1024x1xf32>
    %logistic3A_198 = arith.constant 1.000000e+00 : f32
    %logistic3A_199 = vector.broadcast %logistic3A_198 : f32 to vector<1024x1xf32>
    %logistic3A_200 = arith.addf %logistic3A_199, %logistic3A_197 : vector<1024x1xf32>
    %logistic3A_201 = arith.divf %logistic3A_199, %logistic3A_200 : vector<1024x1xf32>
    %exp3A_202 = math.exp %get3A_172 : f32
    %mul3A_203 = vector.broadcast %exp3A_202 : f32 to vector<1024x1xf32>
    %mul3A_204 = arith.mulf %logistic3A_201, %mul3A_203 : vector<1024x1xf32>
    %add3A_205 = arith.constant 1.100000e+00 : f32
    %add3A_206 = vector.broadcast %add3A_205 : f32 to vector<1024x1xf32>
    %add3A_207 = arith.addf %mul3A_204, %add3A_206 : vector<1024x1xf32>
    %eq3A_208 = arith.constant 0 : i32
    %eq3A_209 = vector.broadcast %eq3A_208 : i32 to vector<1024x96xi32>
    %eq3A_210 = arith.cmpi eq, %iota3A_194, %eq3A_209 : vector<1024x96xi32>
    %jit3A_211 = arith.constant 0.000000e+00 : f32
    %broadcast_in_dim3A_212 = vector.broadcast %jit3A_211 : f32 to vector<1024x96xf32>
    %select_n3A_213 = arith.select %eq3A_210, %broadcast_in_dim3A_212, %add3A_193 : vector<1024x96xi1>, vector<1024x96xf32>
    %mul3A_214 = arith.mulf %select_n3A_213, %select_n3A_213 : vector<1024x96xf32>
    %reduce_sum3A_215 = arith.constant dense<0.000000e+00> : vector<1024xf32>
    %reduce_sum3A_216 = vector.multi_reduction <add>, %mul3A_214, %reduce_sum3A_215 [1] : vector<1024x96xf32> to vector<1024xf32>
    %broadcast_in_dim3A_217 = vector.shape_cast %reduce_sum3A_216 : vector<1024xf32> to vector<1024x1xf32>
    %mul3A_218 = arith.mulf %add3A_207, %add3A_207 : vector<1024x1xf32>
    %sub3A_219 = arith.constant 1.000000e+00 : f32
    %sub3A_220 = vector.broadcast %sub3A_219 : f32 to vector<1024x1xf32>
    %sub3A_221 = arith.subf %mul3A_218, %sub3A_220 : vector<1024x1xf32>
    %max3A_222 = arith.constant 9.99999993E-9 : f32
    %max3A_223 = vector.broadcast %max3A_222 : f32 to vector<1024x1xf32>
    %max3A_224 = arith.maximumf %broadcast_in_dim3A_217, %max3A_223 : vector<1024x1xf32>
    %div3A_225 = arith.divf %sub3A_221, %max3A_224 : vector<1024x1xf32>
    %sqrt3A_226 = math.sqrt %div3A_225 : vector<1024x1xf32>
    %eq3A_227 = arith.constant 0 : i32
    %eq3A_228 = vector.broadcast %eq3A_227 : i32 to vector<1024x96xi32>
    %eq3A_229 = arith.cmpi eq, %iota3A_194, %eq3A_228 : vector<1024x96xi32>
    %mul3A_230 = vector.broadcast %sqrt3A_226 : vector<1024x1xf32> to vector<1024x96xf32>
    %mul3A_231 = arith.mulf %add3A_193, %mul3A_230 : vector<1024x96xf32>
    %broadcast_in_dim3A_232 = vector.shape_cast %add3A_207 : vector<1024x1xf32> to vector<1024x1xf32>
    %broadcast_in_dim3A_233 = vector.broadcast %broadcast_in_dim3A_232 : vector<1024x1xf32> to vector<1024x96xf32>
    %select_n3A_234 = arith.select %eq3A_229, %broadcast_in_dim3A_233, %mul3A_231 : vector<1024x96xi1>, vector<1024x96xf32>
    %add3A_235 = arith.addf %select_n3A_234, %select_n3A_90 : vector<1024x96xf32>
    %get3A_236 = arith.constant 0 : index
    %get3A_237 = arith.constant 0 : index
    %get3A_238 = arith.constant 0 : index
    %get3A_239 = vector.load %arg3[%get3A_236, %get3A_237, %get3A_238] : memref<1x1024x96xf32, #tpu.memory_space<vmem>>, vector<1x1024x96xf32>
    %get3A_240 = vector.shape_cast %get3A_239 : vector<1x1024x96xf32> to vector<1024x96xf32>
    %add3A_241 = arith.addf %add3A_235, %get3A_240 : vector<1024x96xf32>
    %swap3A = arith.constant 0 : index
    %swap3A_242 = arith.constant 0 : index
    %swap3A_243 = arith.constant 0 : index
    %swap3A_244 = vector.load %arg14[%swap3A, %swap3A_242, %swap3A_243] : memref<1x1024x96xf32, #tpu.memory_space<vmem>>, vector<1x1024x96xf32>
    %swap3A_245 = vector.shape_cast %swap3A_244 : vector<1x1024x96xf32> to vector<1024x96xf32>
    %swap3A_246 = vector.shape_cast %add3A_241 : vector<1024x96xf32> to vector<1x1024x96xf32>
    tpu.vector_store %arg14[%swap3A, %swap3A_242, %swap3A_243], %swap3A_246 {strides = array<i32>} : memref<1x1024x96xf32, #tpu.memory_space<vmem>>, vector<1x1024x96xf32>,
    return
  }
  func.func @transform_0(%arg0: i32) -> (i32, i32, i32, i32) {
    %c0_i32 = arith.constant 0 : i32
    %c0_i32_0 = arith.constant 0 : i32
    %c0_i32_1 = arith.constant 0 : i32
    %c0_i32_2 = arith.constant 0 : i32
    return %arg0, %c0_i32, %c0_i32_0, %c0_i32_1 : i32, i32, i32, i32
  }
  func.func @transform_1(%arg0: i32) -> (i32, i32, i32) {
    %c0_i32 = arith.constant 0 : i32
    %c0_i32_0 = arith.constant 0 : i32
    %c0_i32_1 = arith.constant 0 : i32
    return %arg0, %c0_i32, %c0_i32_0 : i32, i32, i32
  }
  func.func @transform_2(%arg0: i32) -> (i32, i32, i32) {
    %c0_i32 = arith.constant 0 : i32
    %c0_i32_0 = arith.constant 0 : i32
    %c0_i32_1 = arith.constant 0 : i32
    return %arg0, %c0_i32, %c0_i32_0 : i32, i32, i32
  }
  func.func @transform_3(%arg0: i32) -> (i32, i32) {
    %c0_i32 = arith.constant 0 : i32
    %c0_i32_0 = arith.constant 0 : i32
    %c0_i32_1 = arith.constant 0 : i32
    return %c0_i32, %c0_i32_0 : i32, i32
  }
  func.func @transform_4(%arg0: i32) -> (i32, i32) {
    %c0_i32 = arith.constant 0 : i32
    %c0_i32_0 = arith.constant 0 : i32
    %c0_i32_1 = arith.constant 0 : i32
    return %c0_i32, %c0_i32_0 : i32, i32
  }
  func.func @transform_5(%arg0: i32) -> (i32, i32) {
    %c0_i32 = arith.constant 0 : i32
    %c0_i32_0 = arith.constant 0 : i32
    %c0_i32_1 = arith.constant 0 : i32
    return %c0_i32, %c0_i32_0 : i32, i32
  }
  func.func @transform_6(%arg0: i32) -> (i32, i32) {
    %c0_i32 = arith.constant 0 : i32
    %c0_i32_0 = arith.constant 0 : i32
    %c0_i32_1 = arith.constant 0 : i32
    return %c0_i32, %c0_i32_0 : i32, i32
  }
  func.func @transform_7(%arg0: i32) -> (i32, i32) {
    %c0_i32 = arith.constant 0 : i32
    %c0_i32_0 = arith.constant 0 : i32
    %c0_i32_1 = arith.constant 0 : i32
    return %c0_i32, %c0_i32_0 : i32, i32
  }
  func.func @transform_8(%arg0: i32) -> (i32, i32) {
    %c0_i32 = arith.constant 0 : i32
    %c0_i32_0 = arith.constant 0 : i32
    %c0_i32_1 = arith.constant 0 : i32
    return %c0_i32, %c0_i32_0 : i32, i32
  }
  func.func @transform_9(%arg0: i32) -> (i32, i32) {
    %c0_i32 = arith.constant 0 : i32
    %c0_i32_0 = arith.constant 0 : i32
    %c0_i32_1 = arith.constant 0 : i32
    return %c0_i32, %c0_i32_0 : i32, i32
  }
  func.func @transform_10(%arg0: i32) -> (i32, i32) {
    %c0_i32 = arith.constant 0 : i32
    %c0_i32_0 = arith.constant 0 : i32
    %c0_i32_1 = arith.constant 0 : i32
    return %c0_i32, %c0_i32_0 : i32, i32
  }
  func.func @transform_11(%arg0: i32) -> (i32, i32) {
    %c0_i32 = arith.constant 0 : i32
    %c0_i32_0 = arith.constant 0 : i32
    %c0_i32_1 = arith.constant 0 : i32
    return %c0_i32, %c0_i32_0 : i32, i32
  }
  func.func @transform_12(%arg0: i32) -> (i32, i32) {
    %c0_i32 = arith.constant 0 : i32
    %c0_i32_0 = arith.constant 0 : i32
    %c0_i32_1 = arith.constant 0 : i32
    return %c0_i32, %c0_i32_0 : i32, i32
  }
  func.func @transform_13(%arg0: i32) -> (i32, i32, i32) {
    %c0_i32 = arith.constant 0 : i32
    %c0_i32_0 = arith.constant 0 : i32
    %c0_i32_1 = arith.constant 0 : i32
    return %arg0, %c0_i32, %c0_i32_0 : i32, i32, i32
  }
}

</mosaic_0001>

<sc_bundles>
// kernel: kernel.6.cloned.1.call-start
scs
__scs_entry_jumppad:
0x0: {  	(pc) =	sbr.rel $0x88, $3  }
0x1: {  	(tag) =	ssettag $0x0;
	lr =	simm.s32 $0x1  }
0x2: {  	[smem:$0x3F91] =	sst lr;
	_ =	strace $0xD0000000  }
0x3: {  	_ = 	snop  }
0x4: {  	_ = 	snop  }
0x5: {  	_ = 	snop  }
0x6: {  	_ = 	snop  }
0x7: {  	_ = 	snop  }
__scs_overlays_trampoline_lowered:
0x8: {  	[smem:$0x3FA0] =	sst s0  }
0x9: {  	[smem:$0x3FA1] =	sst s1  }
0xa: {  	[smem:$0x3FA2] =	sst s2  }
0xb: {  	[smem:$0x3FA3] =	sst s3  }
0xc: {  	[smem:$0x3FA4] =	sst s4  }
0xd: {  	[smem:$0x3FA5] =	sst s5  }
0xe: {  	[smem:$0x3FA6] =	sst s6  }
0xf: {  	[smem:$0x3FA7] =	sst s7  }
0x10: {  	[smem:$0x3FA8] =	sst s8  }
0x11: {  	[smem:$0x3FA9] =	sst s9;
	s0 =	simm.s32 @!p0 $0x0  }
0x12: {  	s1 =	sld [smem:$0x3F8F];
	s0 =	simm.s32 @p0 $0x1  }
0x13: {  	[smem:$0x3FAA] =	sst s0;
	s0 =	simm.s32 @!p1 $0x0  }
0x14: {  	s2 =	sld [smem:$0x3F8E];
	s0 =	simm.s32 @p1 $0x1  }
0x15: {  	[smem:$0x3FAB] =	sst s0;
	s0 =	simm.s32 @!p2 $0x0  }
0x16: {  	s3 =	sld [smem:$0x3FDB];
	s0 =	simm.s32 @p2 $0x1  }
0x17: {  	s4 =	simm.s32 $0x1BF5;
	[smem:$0x3FAD] =	sst s0  }
0x18: {  	s0 =	sld [smem:$0x3F90];
	_ =	swait.ge [sflag:s4], $0x0  }
0x19: {  	s7 =	sld [smem:$0x3F91]  }
0x1a: {  	s8 =	sadd.s32 $0xFFFFE003, lr  }
0x1b: {  	s9 =	sadd.s32 $0xFFFFFEF7, lr;
	s5 =	simm.s32 $0xFFFFFFFF;
	p2 =	slt.u32 s8, $0xFFFFF086  }
0x1c: {  	p1 =	slt.u32 s9, $0xF7A;
	s5 =	simm.s32 @!p2 $0x0  }
0x1d: {  	s5 =	simm.s32 @p1 $0x1;
	p0 =	seq.s32 s7, s2  }
0x1e: {  	s7 =	smul.u32 @!p0 $0xF7A, s2;
	p2 =	seq.s32 @!p0 s5, $0x0  }
0x1f: {  	s9 =	smul.u32 $0xF7A, s1;
	s8 =	simm.s32 @!p0 $0x1BF5;
	p2 =	por !p2, p0  }
0x20: {  	[sflag:s8] =	ssyncset.s32 @!p0 $0xFFFFF086;
	s6 =	sadd.s32 @!p0 s3, s7;
	s7 =	simm.s32 @!p0 $0x108  }
0x21: {  	s3 =	sadd.s32 s3, s9;
	s6 =	sadd.s32 @!p0 $0x88, s6;
	s7 =	simm.s32 @p2 $0x1082  }
0x22: {  	[simem:s7], [sflag:s8] =	dma.local @!p0 [hbm:s6], $0xF7A  }
0x23: {  	s9 =	sor.u32 $0xD0000000, s2;
	s6 =	simm.s32 $0x108;
	_ =	swait.ge @!p0 [sflag:s8], $0x0  }
0x24: {  	s3 =	sadd.s32 $0x88, s3;
	s6 =	simm.s32 @!p1 $0x1082;
	[sflag:s4] =	ssyncset.s32 $0xFFFFF086  }
0x25: {  	[simem:s6], [sflag:s4] =	dma.local [hbm:s3], $0xF7A  }
0x26: {  	[smem:$0x3F91] =	sst s1;
	(tag) =	ssettag s2;
	_ =	strace s9  }
0x27: {  	s1 =	sld [smem:$0x3FA1]  }
0x28: {  	s2 =	sld [smem:$0x3FA2]  }
0x29: {  	s4 =	sld [smem:$0x3FA4]  }
0x2a: {  	p0 =	seq.s32 s5, $0x0;
	s5 =	sld [smem:$0x3FA5]  }
0x2b: {  	s6 =	sld [smem:$0x3FA6]  }
0x2c: {  	s7 =	sld [smem:$0x3FA7]  }
0x2d: {  	s3 =	simm.s32 $0x108;
	s8 =	sld [smem:$0x3FA8]  }
0x2e: {  	s3 =	simm.s32 @!p0 $0x1082;
	s9 =	sld [smem:$0x3FA9]  }
0x2f: {  	lr =	sadd.s32 s0, s3;
	s0 =	sld [smem:$0x3FA0]  }
0x30: {  	s3 =	sld [smem:$0x3FA3]  }
0x31: {  	[smem:$0x3FAC] =	sst s10  }
0x32: {  	s10 =	sld [smem:$0x3FAA];
	_ =	sdelay $0x3  }
0x33: {  	p0 =	seq.s32 s10, $0x1;
	s10 =	sld [smem:$0x3FAC];
	_ =	sdelay $0x3  }
0x34: {  	[smem:$0x3FAC] =	sst s10  }
0x35: {  	s10 =	sld [smem:$0x3FAB];
	_ =	sdelay $0x3  }
0x36: {  	p1 =	seq.s32 s10, $0x1;
	s10 =	sld [smem:$0x3FAC];
	_ =	sdelay $0x3  }
0x37: {  	[smem:$0x3FAC] =	sst s10  }
0x38: {  	s10 =	sld [smem:$0x3FAD]  }
0x39: {  	_ = 	snop;
	(pc) =	sbr.ind lr, $3  }
0x3a: {  	_ = 	snop  }
0x3b: {  	_ = 	snop  }
0x3c: {  	p2 =	seq.s32 s10, $0x1;
	s10 =	sld [smem:$0x3FAC]  }
0x3d: {  	_ =	shalt  }
0x3e: {  	_ =	shalt  }
0x3f: {  	_ =	shalt  }
0x40: {  	_ =	shalt  }
0x41: {  	_ =	shalt  }
0x42: {  	_ =	shalt  }
0x43: {  	_ =	shalt  }
0x44: {  	_ =	shalt  }
0x45: {  	_ =	shalt  }
0x46: {  	_ =	shalt  }
0x47: {  	_ =	shalt  }
0x48: {  	_ =	shalt  }
0x49: {  	_ =	shalt  }
0x4a: {  	_ =	shalt  }
0x4b: {  	_ =	shalt  }
0x4c: {  	_ =	shalt  }
0x4d: {  	_ =	shalt  }
0x4e: {  	_ =	shalt  }
0x4f: {  	_ =	shalt  }
0x50: {  	_ =	shalt  }
0x51: {  	_ =	shalt  }
0x52: {  	_ =	shalt  }
0x53: {  	_ =	shalt  }
0x54: {  	_ =	shalt  }
0x55: {  	_ =	shalt  }
0x56: {  	_ =	shalt  }
0x57: {  	_ =	shalt  }
0x58: {  	_ =	shalt  }
0x59: {  	_ =	shalt  }
0x5a: {  	_ =	shalt  }
0x5b: {  	_ =	shalt  }
0x5c: {  	_ =	shalt  }
0x5d: {  	_ =	shalt  }
0x5e: {  	_ =	shalt  }
0x5f: {  	_ =	shalt  }
0x60: {  	_ =	shalt  }
0x61: {  	_ =	shalt  }
0x62: {  	_ =	shalt  }
0x63: {  	_ =	shalt  }
0x64: {  	_ =	shalt  }
0x65: {  	_ =	shalt  }
0x66: {  	_ =	shalt  }
0x67: {  	_ =	shalt  }
0x68: {  	_ =	shalt  }
0x69: {  	_ =	shalt  }
0x6a: {  	_ =	shalt  }
0x6b: {  	_ =	shalt  }
0x6c: {  	_ =	shalt  }
0x6d: {  	_ =	shalt  }
0x6e: {  	_ =	shalt  }
0x6f: {  	_ =	shalt  }
0x70: {  	_ =	shalt  }
0x71: {  	_ =	shalt  }
0x72: {  	_ =	shalt  }
0x73: {  	_ =	shalt  }
0x74: {  	_ =	shalt  }
0x75: {  	_ =	shalt  }
0x76: {  	_ =	shalt  }
0x77: {  	_ =	shalt  }
0x78: {  	_ =	shalt  }
0x79: {  	_ =	shalt  }
0x7a: {  	_ =	shalt  }
0x7b: {  	_ =	shalt  }
0x7c: {  	_ =	shalt  }
0x7d: {  	_ =	shalt  }
0x7e: {  	_ =	shalt  }
0x7f: {  	_ =	shalt  }
0x80: {  	_ =	shalt  }
0x81: {  	_ =	shalt  }
0x82: {  	_ =	shalt  }
0x83: {  	_ =	shalt  }
0x84: {  	_ =	shalt  }
0x85: {  	_ =	shalt  }
0x86: {  	_ =	shalt  }
0x87: {  	_ =	shalt  }
.Lfunc_end0:
.L_simem_size_0:
called_computation_lowered:
.L_overlay_start_0:
0x88: {  	s2 =	sld [smem:$0x3FD9]  }
0x89: {  	s3 =	sld [smem:$0x3FFE];
	_ =	sdelay $0x1  }
0x8a: {  	s1 =	srdreg.scid  }
0x8b: {  	s0 =	sand.u32 $0x1, s1  }
0x8c: {  	s17 =	sshll.u32 s0, $0xA;
	s2 =	sadd.s32 s3, s2  }
0x8d: {  	s2 =	sadd.s32 s2, s17  }
0x8e: {  	[smem:$0x3FB8] =	sst s2  }
0x8f: {  	_ = 	snop  }
0x90: {  	s2 =	sld [smem:$0x3FD0];
	(tm) =	ssettm $0x1  }
0x91: {  	s18 =	sld [smem:$0x3FFB];
	_ =	sdelay $0x3  }
0x92: {  	_ =	strace s18  }
0x93: {  	s3 =	sld [smem:$0x3FFC];
	_ =	sdelay $0x3  }
0x94: {  	_ =	strace s3  }
0x95: {  	s3 =	sld [smem:$0x3FFD];
	_ =	sdelay $0x3  }
0x96: {  	_ =	strace s3  }
0x97: {  	_ =	strace $0x8FFFFFFF  }
0x98: {  	s19 =	sld [smem:$0x3FDB];
	_ =	sdelay $0x1  }
0x99: {  	s4 =	simm.s32 $_scs_section_size  }
0x9a: {  	s5 =	simm.s32 $_size__tile_overlayer_lowered;
	s6 =	simm.s32 $_tile_overlayer_lowered  }
0x9b: {  	s22 =	simm.s32 $0x1BFF;
	s21 =	sshll.u32 s6, $0x1;
	s3 =	sadd.s32 s4, s19  }
0x9c: {  	s7 =	simm.s32 $0x0;
	s20 =	sshll.u32 s5, $0x1;
	s5 =	sadd.s32 s21, s3  }
0x9d: {  	[timem:s7], [sflag:s22] =	dma.local [hbm:s5], s20  }
0x9e: {  	_ =	swait.ge [sflag:s22], s20  }
0x9f: {  	s4 =	ssub.s32 $0x0, s20;
	[sflag:s22] =	ssyncset.done $0x0  }
0xa0: {  	[sflag:s22] =	ssyncadd.s32 s4;
	_ =	sdelay $0x1  }
0xa1: {  	s23 =	simm.s32 $0x1B8B  }
0xa2: {  	_ =	swait.ge [sflag:s23], $0x1  }
0xa3: {  	[sflag:s23] =	ssyncset.done $0x0  }
0xa4: {  	s25 =	simm.s32 $0x1B8E;
	s24 =	sld [smem:$0x3FFE];
	[sflag:s23] =	ssyncadd.s32 $0xFFFFFFFF  }
0xa5: {  	s26 =	simm.s32 $execute0_lowered;
	[smem:$0x3FD2] =	sst s25  }
0xa6: {  	s5 =	sshll.u32 s26, $0x1;
	_ =	strace $0x80000046;
	[dreg:$0x1] =	wrdreg $0xFFFFFFFF  }
0xa7: {  	s28 =	simm.s32 $_size_execute0_lowered;
	s3 =	sadd.s32 s3, s5;
	[dreg:$0x0] =	wrdreg $0x0  }
0xa8: {  	s5 =	sshll.u32 s28, $0x1;
	[dreg:$0x2] =	wrdreg s3  }
0xa9: {  	[dreg:$0x3] =	wrdreg s5  }
0xaa: {  	[dreg:$0x4] =	wrdreg $0xC0  }
0xab: {  	_ =	task [dreg:s7], $0x5FFFF  }
0xac: {  	[dreg:$0x1] =	wrdreg $0xFFFFFFFF  }
0xad: {  	[dreg:$0x0] =	wrdreg $0x60  }
0xae: {  	[dreg:$0x2] =	wrdreg s2  }
0xaf: {  	[dreg:$0x3] =	wrdreg s24  }
0xb0: {  	[dreg:$0x4] =	wrdreg $0x9  }
0xb1: {  	_ =	task.clear_ibuf [dreg:s7], $0x5FFFF;
	_ =	strace $0x90000046  }
0xb2: {  	s29 =	simm.s32 $0x9;
	_ =	strace $0x80000048  }
0xb3: {  	_ =	swait.ge [sflag:s29], $0x1  }
0xb4: {  	[sflag:s29] =	ssyncadd.s32 $0xFFFFFFFF  }
0xb5: {  	_ =	strace $0x90000048  }
0xb6: {  	_ =	sfence  }
0xb7: {  	s30 =	sld [smem:$0x0];
	_ =	sdelay $0x2  }
0xb8: {  	s31 =	sshll.u32 s1, $0xD;
	s1 =	sshrl.u32 s1, $0x2  }
0xb9: {  	s3 =	sand.u32 $0x4000, s31;
	s1 =	sadd.s32 s1, s30  }
0xba: {  	s0 =	sor.u32 s3, s0;
	s1 =	sshll.u32 s1, $0x11  }
0xbb: {  	s0 =	sor.u32 s1, s0  }
0xbc: {  	s0 =	sadd.s32 $0x8F2B, s0  }
0xbd: {  	[sflag:s0] =	ssyncadd.remote.s32 $0x1  }
0xbe: {  	_ =	sfence.sel $0xFFFF  }
0xbf: {  	[dreg:$0x0] =	wrdreg $0xFFFFFFFF;
	(pc) =	sbr.abs _section_cstart, $3  }
0xc0: {  	[dreg:$0x1] =	wrdreg $0xFFFFFFFF  }
0xc1: {  	_ =	task.clear_ibuf [dreg:s7], $0x2FFFF;
	_ =	strace $0x9FFFFFFF  }
0xc2: {  	(tm) =	ssettm $0x7FFFFFFF  }
0xc3: {  	_ =	shalt  }
tec
execute0_lowered:
.L_overlay_start_1:
0x0: {  	(tag) =	ssettag $0x1  }
0x1: {  	s2 =	rddreg [dreg:$0x0];
	s1 =	srdreg.scid  }
0x2: {  	s0 =	stileid.u32;
	s4 =	rddreg [dreg:$0x1]  }
0x3: {  	s3 =	simm.s32 $0x0;
	s9 =	simm.s32 $0x1200;
	s10 =	simm.s32 $0x5200  }
0x4: {  	s11 =	simm.s32 $0x1;
	s12 =	simm.s32 $0x2;
	s5 =	sand.u32 $0x1, s1  }
0x5: {  	s6 =	sshll.u32 s0, $0x1;
	s1 =	rddreg [dreg:$0x2];
	s7 =	smul.u32 $0x24000, s0  }
0x6: {  	s6 =	sor.u32 s5, s6;
	s8 =	ssub.s32 $0x2, s5;
	s5 =	smul.u32 $0x12000, s5  }
0x7: {  	s13 =	simm.s32 $0x0;
	[smem:$0x7FF] =	sst s3;
	s6 =	smul.u32 $0x1200, s6  }
0x8: {  	_ =	strace $0x80000047;
	s7 =	sadd.s32 s7, s4;
	s30 =	sshrl.u32 s8, $0x1  }
0x9: {  	s8 =	ssub.s32 s8, s30;
	s31 =	sadd.s32 s5, s7;
	s6 =	sshrl.u32 s6, $0x3  }
0xa: {  	s7 =	simm.s32 $0x3;
	s5 =	smax.u32 s8, $0x1;
	s6 =	sadd.s32 s6, s4  }
0xb: {  	s8 =	simm.s32 $0x80;
	s4 =	sadd.s32 $0x2E00, s6;
	s6 =	sadd.s32 $0x7600, s31  }
.LBB2_1:
0xc: {  	[tilespmem:s3], [sflag:$0x3] =	stream.linear.gather [hbm4b:s4+s3], $0x1200, $0x38;
	[tilespmem:$0x9200] =	vst v63  }
0xd: {  	_ =	swait.ge [sflag:s7], $0x1200  }
0xe: {  	[sflag:s7] =	ssyncset.done $0x0  }
0xf: {  	s14 =	simm.s32 $0x0;
	[sflag:s7] =	ssyncadd.s32 $0xFFFFEE00  }
0x10: {  	[tilespmem:s9], [sflag:$0x1] =	stream.indirect.gather [hbm4b:s2+s8], $0x80, s14, s8, $0xb8;
	[tilespmem:$0x9200] =	vst v63  }
0x11: {  	s30 =	simm.s32 $0x80  }
0x12: {  	[tilespmem:s10], [sflag:$0x2] =	stream.indirect.gather [hbm4b:s2+s8], $0x80, s30, s8, $0xb8;
	[tilespmem:$0x9200] =	vst v63  }
0x13: {  	_ =	swait.ge [sflag:s11], $0x4000  }
0x14: {  	[sflag:s11] =	ssyncset.done $0x0  }
0x15: {  	[sflag:s11] =	ssyncadd.s32 $0xFFFFC000  }
0x16: {  	[hbm4b:s6+s3] =	stream.linear.scatter [tilespmem:s9], [sflag:$0x3], $0x4000, $0x38;
	[tilespmem:$0x9200] =	vst v63  }
0x17: {  	_ =	swait.ge [sflag:s7], $0x4000  }
0x18: {  	[sflag:s7] =	ssyncset.done $0x0  }
0x19: {  	[sflag:s7] =	ssyncadd.s32 $0xFFFFC000  }
0x1a: {  	_ =	swait.ge [sflag:s12], $0x4000  }
0x1b: {  	[sflag:s12] =	ssyncset.done $0x0  }
0x1c: {  	s31 =	sadd.s32 $0x800, s6;
	[sflag:s12] =	ssyncadd.s32 $0xFFFFC000  }
0x1d: {  	[hbm4b:s31+s3] =	stream.linear.scatter [tilespmem:s10], [sflag:$0x3], $0x4000, $0x38;
	[tilespmem:$0x9200] =	vst v63  }
0x1e: {  	s15 =	simm.s32 $0x400;
	_ =	swait.ge [sflag:s7], $0x4000  }
0x1f: {  	s16 =	simm.s32 $0x800;
	s14 =	sadd.s32 $0x1000, s6;
	[sflag:s7] =	ssyncset.done $0x0  }
.LBB2_2:
0x20: {  	s17 =	sshra.s32 s15, $0x2  }
0x21: {  	[sflag:s7] =	ssyncadd.s32 $0xFFFFC000;
	s15 =	smov.u32 s16;
	s18 =	sadd.s32 $0x400, s16  }
0x22: {  	[tilespmem:s9], [sflag:$0x1] =	stream.indirect.gather [hbm4b:s2+s8], $0x80, s17, s8, $0xb8;
	[tilespmem:$0x9200] =	vst v63  }
0x23: {  	p0 =	sne.s32 s16, $0x4400;
	s16 =	sadd.s32 $0x80, s17  }
0x24: {  	[tilespmem:s10], [sflag:$0x2] =	stream.indirect.gather [hbm4b:s2+s8], $0x80, s16, s8, $0xb8;
	[tilespmem:$0x9200] =	vst v63  }
0x25: {  	_ =	swait.ge [sflag:s11], $0x4000  }
0x26: {  	[sflag:s11] =	ssyncset.done $0x0  }
0x27: {  	[sflag:s11] =	ssyncadd.s32 $0xFFFFC000  }
0x28: {  	[hbm4b:s14+s3] =	stream.linear.scatter [tilespmem:s9], [sflag:$0x3], $0x4000, $0x38;
	[tilespmem:$0x9200] =	vst v63  }
0x29: {  	_ =	swait.ge [sflag:s7], $0x4000  }
0x2a: {  	[sflag:s7] =	ssyncset.done $0x0  }
0x2b: {  	[sflag:s7] =	ssyncadd.s32 $0xFFFFC000  }
0x2c: {  	_ =	swait.ge [sflag:s12], $0x4000  }
.Ltmp0:
0x2d: {  	[sflag:s12] =	ssyncset.done $0x0;
	(pc) =	sbr.rel @p0 .LBB2_2-.Ltmp0, $4  }
0x2e: {  	s16 =	sadd.s32 $0x800, s14;
	[sflag:s12] =	ssyncadd.s32 $0xFFFFC000  }
0x2f: {  	[hbm4b:s16+s3] =	stream.linear.scatter [tilespmem:s10], [sflag:$0x3], $0x4000, $0x38;
	[tilespmem:$0x9200] =	vst v63  }
0x30: {  	_ =	swait.ge [sflag:s7], $0x4000  }
0x31: {  	s14 =	sadd.s32 $0x1000, s14;
	s16 =	smov.u32 s18;
	[sflag:s7] =	ssyncset.done $0x0  }
0x32: {  	s15 =	sshra.s32 s15, $0x2;
	[sflag:s7] =	ssyncadd.s32 $0xFFFFC000  }
0x33: {  	[tilespmem:s9], [sflag:$0x1] =	stream.indirect.gather [hbm4b:s2+s8], $0x80, s15, s8, $0xb8;
	[tilespmem:$0x9200] =	vst v63  }
0x34: {  	s15 =	sadd.s32 $0x80, s15  }
0x35: {  	[tilespmem:s10], [sflag:$0x2] =	stream.indirect.gather [hbm4b:s2+s8], $0x80, s15, s8, $0xb8;
	[tilespmem:$0x9200] =	vst v63  }
0x36: {  	_ =	swait.ge [sflag:s11], $0x4000  }
0x37: {  	[sflag:s11] =	ssyncset.done $0x0  }
0x38: {  	[sflag:s11] =	ssyncadd.s32 $0xFFFFC000  }
0x39: {  	[hbm4b:s14+s3] =	stream.linear.scatter [tilespmem:s9], [sflag:$0x3], $0x4000, $0x38;
	[tilespmem:$0x9200] =	vst v63  }
0x3a: {  	_ =	swait.ge [sflag:s7], $0x4000  }
0x3b: {  	[sflag:s7] =	ssyncset.done $0x0  }
0x3c: {  	[sflag:s7] =	ssyncadd.s32 $0xFFFFC000  }
0x3d: {  	s13 =	sadd.s32 $0x1, s13;
	_ =	swait.ge [sflag:s12], $0x4000  }
0x3e: {  	p0 =	sne.s32 s13, s5;
	[sflag:s12] =	ssyncset.done $0x0  }
.Ltmp1:
0x3f: {  	s31 =	sadd.s32 $0x800, s14;
	[sflag:s12] =	ssyncadd.s32 $0xFFFFC000;
	(pc) =	sbr.rel @p0 .LBB2_1-.Ltmp1, $4  }
0x40: {  	[hbm4b:s31+s3] =	stream.linear.scatter [tilespmem:s10], [sflag:$0x3], $0x4000, $0x38;
	[tilespmem:$0x9200] =	vst v63  }
0x41: {  	_ =	swait.ge [sflag:s7], $0x4000  }
0x42: {  	[sflag:s7] =	ssyncset.done $0x0  }
0x43: {  	[sflag:s7] =	ssyncadd.s32 $0xFFFFC000  }
0x44: {  	_ =	sfence.sel $0x180000  }
0x45: {  	[bflag:$0x0] =	sbarrier.arrive $0xFFFF  }
0x46: {  	p0 =	sne.s32 s0, $0x0;
	_ =	strace $0x90000047  }
0x47: {  	s0 =	sadd.s32 @!p0 $0x100000, s1;
	[bflag:$0x2] =	sbarrier.arrive $0xFFFF  }
0x48: {  	[sflag:s0] =	ssyncadd.tile.s32 @!p0 $0x1;
	_ =	shalt  }
.Lfunc_end2:
_tile_overlayer_lowered:
.L_overlay_start_2:
0x49: {  	(tag) =	ssettag $0x2  }
0x4a: {  	s0 =	rddreg [dreg:$0x0];
	s2 =	stileid.u32  }
0x4b: {  	s1 =	rddreg [dreg:$0x1];
	p0 =	sne.s32 s2, $0x0  }
0x4c: {  	s3 =	rddreg [dreg:$0x2];
	[bflag:$0x3] =	sbarrier.arrive $0xFFFF;
	s2 =	simm.s32 @!p0 $0x1C03  }
0x4d: {  	[timem:s3], [sflag:s2] =	dma.local @!p0 [hbm:s0], s1  }
0x4e: {  	s0 =	simm.s32 @!p0 $0x3  }
0x4f: {  	_ =	swait.ge @!p0 [sflag:s0], s1  }
0x50: {  	s1 =	ssub.s32 @!p0 $0x0, s1;
	[sflag:s0] =	ssyncset.done @!p0 $0x0  }
0x51: {  	[sflag:s0] =	ssyncadd.s32 @!p0 s1  }
0x52: {  	[bflag:$0x3] =	sbarrier.arrive $0xFFFF  }
0x53: {  	_ =	shalt  }

</sc_bundles>
